<compile_context>
chip_gen: v7x
topology: tpu7x:2x2x1
jax: 0.10.2.dev20260603
libtpu: 0.0.44.dev20260713+nightly
codegen_flags: <defaults>
</compile_context>

<pallas_src>
import functools

import jax
import jax.numpy as jnp
from jax import lax
from jax.experimental import pallas as pl
from jax.experimental.pallas import tpu as pltpu
from jax.experimental.pallas import tpu_sc as plsc

_GROUP = 128
_NUM_WORKERS = 32


def _sc_gather(idx2d, table, N, D):
    n_groups, _ = idx2d.shape
    g_per_w = n_groups // _NUM_WORKERS

    K = 10
    CH = K * _GROUP
    n_chunks = g_per_w // K

    mesh = plsc.VectorSubcoreMesh(core_axis_name="c", subcore_axis_name="s")

    @functools.partial(
        pl.kernel,
        out_type=jax.ShapeDtypeStruct((N, D), jnp.float32),
        mesh=mesh,
        compiler_params=pltpu.CompilerParams(use_tc_tiling_on_sc=False),
        scratch_types=[
            pltpu.VMEM((g_per_w, _GROUP), jnp.int32),
            pltpu.VMEM((CH, D), jnp.float32),
            pltpu.VMEM((CH, D), jnp.float32),
            pltpu.SemaphoreType.DMA,
        ],
    )
    def sc_gather(idx_hbm, table_hbm, out_hbm, idx_v, buf0, buf1, gsem):
        wid = lax.axis_index("s") * 2 + lax.axis_index("c")
        gbase = wid * g_per_w
        row_base = gbase * _GROUP
        pltpu.sync_copy(idx_hbm.at[pl.ds(gbase, g_per_w)], idx_v)

        def fire(c, buf):
            for k in range(K):
                pltpu.async_copy(
                    table_hbm.at[idx_v.at[c * K + k]],
                    buf.at[pl.ds(k * _GROUP, _GROUP)],
                    gsem,
                )

        def drain(buf):
            for k in range(K):
                pltpu.make_async_copy(
                    table_hbm.at[pl.ds(0, _GROUP)],
                    buf.at[pl.ds(k * _GROUP, _GROUP)],
                    gsem,
                ).wait()

        def put(c, buf):
            pltpu.sync_copy(buf, out_hbm.at[pl.ds(row_base + c * CH, CH)])

        fire(0, buf0)

        @pl.loop(0, n_chunks, step=2)
        def _(c):
            drain(buf0)

            @pl.when(c + 1 < n_chunks)
            def _():
                fire(c + 1, buf1)

            put(c, buf0)

            @pl.when(c + 1 < n_chunks)
            def _():
                drain(buf1)

                @pl.when(c + 2 < n_chunks)
                def _():
                    fire(c + 2, buf0)

                put(c + 1, buf1)

    return sc_gather(idx2d, table)


def _tc_transpose(g, B, L, D):
    BB = 128
    LD = L * D
    n_blocks = B // BB
    g2 = g.reshape(B, LD)

    def body(in_hbm, out_ref, vbuf2, sem2):
        i = pl.program_id(0)
        sel = jax.lax.rem(i, 2)

        @pl.when(i == 0)
        def _():
            pltpu.make_async_copy(
                in_hbm.at[pl.ds(0, BB), :], vbuf2.at[0], sem2.at[0]
            ).start()

        @pl.when(i + 1 < n_blocks)
        def _():
            pltpu.make_async_copy(
                in_hbm.at[pl.ds((i + 1) * BB, BB), :],
                vbuf2.at[1 - sel],
                sem2.at[1 - sel],
            ).start()

        pltpu.make_async_copy(
            in_hbm.at[pl.ds(i * BB, BB), :], vbuf2.at[sel], sem2.at[sel]
        ).wait()
        x = vbuf2[sel]
        xt = jnp.swapaxes(x, 0, 1)
        out_ref[...] = xt.reshape(L, D // 8, 1, 8, BB)

    return pl.pallas_call(
        body,
        grid=(n_blocks,),
        in_specs=[pl.BlockSpec(memory_space=pl.ANY)],
        out_specs=pl.BlockSpec((L, D // 8, 1, 8, BB), lambda i: (0, 0, i, 0, 0)),
        out_shape=jax.ShapeDtypeStruct((L, D // 8, n_blocks, 8, BB), jnp.float32),
        scratch_shapes=[
            pltpu.VMEM((2, BB, LD), jnp.float32),
            pltpu.SemaphoreType.DMA((2,)),
        ],
        compiler_params=pltpu.CompilerParams(
            dimension_semantics=("arbitrary",),
        ),
    )(g2)


def kernel(vocab_id_list, table):
    B, L = vocab_id_list.shape
    V, D = table.shape
    N = B * L
    n_groups = N // _GROUP

    idx2d = vocab_id_list.reshape(n_groups, _GROUP)
    g = _sc_gather(idx2d, table, N, D)
    y5 = _tc_transpose(g, B, L, D)
    return y5.transpose(2, 4, 0, 1, 3).reshape(B, L, D)

# --- scband reference (transcript-rebuilt; emitter-appended) ---
"""Pipeline reference for scband-embedding-layer-21449066676916 (READ-ONLY COPY).

The authoritative reference and input builder live on the scoring server;
editing this copy changes nothing except your own understanding.
"""

import jax, jax.numpy as jnp
import numpy as np

VOCAB = 100000
DIM = 32
B = 16384
L = 50


def setup_inputs(seed: int = 0) -> dict:
    key = jax.random.key(seed)
    k_tbl, k_idx = jax.random.split(key)
    # torch kaiming_uniform_(a=0, mode='fan_in', nonlinearity='linear'):
    # gain = 1.0, fan_in = DIM (2nd dim of 2D tensor), bound = gain * sqrt(3 / fan_in)
    bound = float(np.sqrt(3.0) / np.sqrt(DIM))
    table = jax.random.uniform(k_tbl, (VOCAB, DIM), minval=-bound, maxval=bound, dtype=jnp.float32)
    vocab_id_list = jax.random.randint(k_idx, (B, L), 0, VOCAB, dtype=jnp.int32)
    return {"vocab_id_list": vocab_id_list, "table": table}


def reference(vocab_id_list, table):
    # embedding lookup: (B, L) int ids -> (B, L, DIM) float
    embedding = jnp.take(table, vocab_id_list, axis=0)
    # dropout with p = config.keep_prob = 0.0 (and eval mode) is identity
    return embedding

if __name__ == "__main__":
    import jax
    _d = setup_inputs()
    print(jax.jit(kernel)(*tuple(_d.values())))

</pallas_src>

<mosaic_0001>
#map = affine_map<(d0, d1) -> (0, 0)>
module attributes {stable_mosaic.version = 14 : i64} {
  func.func @sc_gather(%arg0: i32, %arg1: i32, %arg2: memref<6400x128xi32, #tpu.memory_space<hbm>>, %arg3: memref<100000x32xf32, #tpu.memory_space<hbm>>, %arg4: memref<819200x32xf32, #tpu.memory_space<hbm>>, %arg5: memref<200x128xi32, #tpu.memory_space<vmem>>, %arg6: memref<1280x32xf32, #tpu.memory_space<vmem>>, %arg7: memref<1280x32xf32, #tpu.memory_space<vmem>>, %arg8: memref<!tpu.dma_semaphore, #tpu.memory_space<semaphore_mem>>) attributes {dimension_semantics = [#tpu.dimension_semantics<core_parallel>, #tpu.dimension_semantics<subcore_parallel>], iteration_bounds = array<i64: 2, 16>, scalar_prefetch = 0 : i64, scratch_operands = 4 : i64, tpu.core_type = #tpu.core_type<sc_vector_subcore>, window_params = [{transform_indices = #map}, {transform_indices = #map}, {transform_indices = #map}]} {
    %mul3A = arith.constant 2 : i32
    %mul3A_0 = arith.muli %arg1, %mul3A : i32
    %add3A = arith.addi %mul3A_0, %arg0 : i32
    %mul3A_1 = arith.constant 200 : i32
    %mul3A_2 = arith.muli %add3A, %mul3A_1 : i32
    %mul3A_3 = arith.constant 128 : i32
    %mul3A_4 = arith.muli %mul3A_2, %mul3A_3 : i32
    "tpu.region"() ({
      %run_scoped3A = tpu.sem_alloc : memref<!tpu.dma_semaphore, #tpu.memory_space<semaphore_mem>>
      %dma_start3A_108 = arith.constant 0 : i32
      %dma_start3A_109 = tpu.memref_slice %arg2[%mul3A_2, %dma_start3A_108] : memref<6400x128xi32, #tpu.memory_space<hbm>> -> memref<200x128xi32, #tpu.memory_space<hbm>>
      %dma_start3A_110 = arith.constant 0 : i32
      %dma_start3A_111 = tpu.memref_slice %arg2[%mul3A_2, %dma_start3A_110] : memref<6400x128xi32, #tpu.memory_space<hbm>> -> memref<200x128xi32, #tpu.memory_space<hbm>>
      tpu.enqueue_dma source(%dma_start3A_111 : memref<200x128xi32, #tpu.memory_space<hbm>>) target(%arg5 : memref<200x128xi32, #tpu.memory_space<vmem>>) target_semaphore(%run_scoped3A : memref<!tpu.dma_semaphore, #tpu.memory_space<semaphore_mem>>)
      %dma_wait3A = arith.constant 0 : i32
      %dma_wait3A_112 = tpu.memref_slice %arg2[%mul3A_2, %dma_wait3A] : memref<6400x128xi32, #tpu.memory_space<hbm>> -> memref<200x128xi32, #tpu.memory_space<hbm>>
      %dma_wait3A_113 = arith.constant 0 : i32
      %dma_wait3A_114 = tpu.memref_slice %arg2[%mul3A_2, %dma_wait3A_113] : memref<6400x128xi32, #tpu.memory_space<hbm>> -> memref<200x128xi32, #tpu.memory_space<hbm>>
      tpu.wait_dma2 semaphore(%run_scoped3A : memref<!tpu.dma_semaphore, #tpu.memory_space<semaphore_mem>>) src(%dma_wait3A_114 : memref<200x128xi32, #tpu.memory_space<hbm>>) dst(%arg5 : memref<200x128xi32, #tpu.memory_space<vmem>>)
      tpu.yield
    }) : () -> ()
    %dma_start3A = arith.constant 0 : i32
    %dma_start3A_5 = arith.constant 0 : i32
    %dma_start3A_6 = arith.constant 0 : i32
    %dma_start3A_7 = tpu.memref_slice %arg6[%dma_start3A_5, %dma_start3A_6] : memref<1280x32xf32, #tpu.memory_space<vmem>> -> memref<128x32xf32, #tpu.memory_space<vmem>>
    %dma_start3A_8 = arith.constant 0 : i32
    %dma_start3A_9 = tpu.memref_slice %arg5[%dma_start3A, %dma_start3A_8] : memref<200x128xi32, #tpu.memory_space<vmem>> -> memref<1x128xi32, #tpu.memory_space<vmem>>
    %dma_start3A_10 = tpu.memref_squeeze %dma_start3A_9 : memref<1x128xi32, #tpu.memory_space<vmem>> -> memref<128xi32, #tpu.memory_space<vmem>>
    %dma_start3A_11 = arith.constant 0 : i32
    %dma_start3A_12 = arith.constant 0 : i32
    %dma_start3A_13 = tpu.memref_slice %arg3[%dma_start3A_11, %dma_start3A_12] : memref<100000x32xf32, #tpu.memory_space<hbm>> -> memref<100000x32xf32, #tpu.memory_space<hbm>>
    tpu.enqueue_indirect_dma source(%dma_start3A_13 : memref<100000x32xf32, #tpu.memory_space<hbm>>) target(%dma_start3A_7 : memref<128x32xf32, #tpu.memory_space<vmem>>) offsets(%dma_start3A_10 : memref<128xi32, #tpu.memory_space<vmem>>) semaphore(%arg8 : memref<!tpu.dma_semaphore, #tpu.memory_space<semaphore_mem>>)
    %dma_start3A_14 = arith.constant 1 : i32
    %dma_start3A_15 = arith.constant 128 : i32
    %dma_start3A_16 = arith.constant 0 : i32
    %dma_start3A_17 = tpu.memref_slice %arg6[%dma_start3A_15, %dma_start3A_16] : memref<1280x32xf32, #tpu.memory_space<vmem>> -> memref<128x32xf32, #tpu.memory_space<vmem>>
    %dma_start3A_18 = arith.constant 0 : i32
    %dma_start3A_19 = tpu.memref_slice %arg5[%dma_start3A_14, %dma_start3A_18] : memref<200x128xi32, #tpu.memory_space<vmem>> -> memref<1x128xi32, #tpu.memory_space<vmem>>
    %dma_start3A_20 = tpu.memref_squeeze %dma_start3A_19 : memref<1x128xi32, #tpu.memory_space<vmem>> -> memref<128xi32, #tpu.memory_space<vmem>>
    %dma_start3A_21 = arith.constant 0 : i32
    %dma_start3A_22 = arith.constant 0 : i32
    %dma_start3A_23 = tpu.memref_slice %arg3[%dma_start3A_21, %dma_start3A_22] : memref<100000x32xf32, #tpu.memory_space<hbm>> -> memref<100000x32xf32, #tpu.memory_space<hbm>>
    tpu.enqueue_indirect_dma source(%dma_start3A_23 : memref<100000x32xf32, #tpu.memory_space<hbm>>) target(%dma_start3A_17 : memref<128x32xf32, #tpu.memory_space<vmem>>) offsets(%dma_start3A_20 : memref<128xi32, #tpu.memory_space<vmem>>) semaphore(%arg8 : memref<!tpu.dma_semaphore, #tpu.memory_space<semaphore_mem>>)
    %dma_start3A_24 = arith.constant 2 : i32
    %dma_start3A_25 = arith.constant 256 : i32
    %dma_start3A_26 = arith.constant 0 : i32
    %dma_start3A_27 = tpu.memref_slice %arg6[%dma_start3A_25, %dma_start3A_26] : memref<1280x32xf32, #tpu.memory_space<vmem>> -> memref<128x32xf32, #tpu.memory_space<vmem>>
    %dma_start3A_28 = arith.constant 0 : i32
    %dma_start3A_29 = tpu.memref_slice %arg5[%dma_start3A_24, %dma_start3A_28] : memref<200x128xi32, #tpu.memory_space<vmem>> -> memref<1x128xi32, #tpu.memory_space<vmem>>
    %dma_start3A_30 = tpu.memref_squeeze %dma_start3A_29 : memref<1x128xi32, #tpu.memory_space<vmem>> -> memref<128xi32, #tpu.memory_space<vmem>>
    %dma_start3A_31 = arith.constant 0 : i32
    %dma_start3A_32 = arith.constant 0 : i32
    %dma_start3A_33 = tpu.memref_slice %arg3[%dma_start3A_31, %dma_start3A_32] : memref<100000x32xf32, #tpu.memory_space<hbm>> -> memref<100000x32xf32, #tpu.memory_space<hbm>>
    tpu.enqueue_indirect_dma source(%dma_start3A_33 : memref<100000x32xf32, #tpu.memory_space<hbm>>) target(%dma_start3A_27 : memref<128x32xf32, #tpu.memory_space<vmem>>) offsets(%dma_start3A_30 : memref<128xi32, #tpu.memory_space<vmem>>) semaphore(%arg8 : memref<!tpu.dma_semaphore, #tpu.memory_space<semaphore_mem>>)
    %dma_start3A_34 = arith.constant 3 : i32
    %dma_start3A_35 = arith.constant 384 : i32
    %dma_start3A_36 = arith.constant 0 : i32
    %dma_start3A_37 = tpu.memref_slice %arg6[%dma_start3A_35, %dma_start3A_36] : memref<1280x32xf32, #tpu.memory_space<vmem>> -> memref<128x32xf32, #tpu.memory_space<vmem>>
    %dma_start3A_38 = arith.constant 0 : i32
    %dma_start3A_39 = tpu.memref_slice %arg5[%dma_start3A_34, %dma_start3A_38] : memref<200x128xi32, #tpu.memory_space<vmem>> -> memref<1x128xi32, #tpu.memory_space<vmem>>
    %dma_start3A_40 = tpu.memref_squeeze %dma_start3A_39 : memref<1x128xi32, #tpu.memory_space<vmem>> -> memref<128xi32, #tpu.memory_space<vmem>>
    %dma_start3A_41 = arith.constant 0 : i32
    %dma_start3A_42 = arith.constant 0 : i32
    %dma_start3A_43 = tpu.memref_slice %arg3[%dma_start3A_41, %dma_start3A_42] : memref<100000x32xf32, #tpu.memory_space<hbm>> -> memref<100000x32xf32, #tpu.memory_space<hbm>>
    tpu.enqueue_indirect_dma source(%dma_start3A_43 : memref<100000x32xf32, #tpu.memory_space<hbm>>) target(%dma_start3A_37 : memref<128x32xf32, #tpu.memory_space<vmem>>) offsets(%dma_start3A_40 : memref<128xi32, #tpu.memory_space<vmem>>) semaphore(%arg8 : memref<!tpu.dma_semaphore, #tpu.memory_space<semaphore_mem>>)
    %dma_start3A_44 = arith.constant 4 : i32
    %dma_start3A_45 = arith.constant 512 : i32
    %dma_start3A_46 = arith.constant 0 : i32
    %dma_start3A_47 = tpu.memref_slice %arg6[%dma_start3A_45, %dma_start3A_46] : memref<1280x32xf32, #tpu.memory_space<vmem>> -> memref<128x32xf32, #tpu.memory_space<vmem>>
    %dma_start3A_48 = arith.constant 0 : i32
    %dma_start3A_49 = tpu.memref_slice %arg5[%dma_start3A_44, %dma_start3A_48] : memref<200x128xi32, #tpu.memory_space<vmem>> -> memref<1x128xi32, #tpu.memory_space<vmem>>
    %dma_start3A_50 = tpu.memref_squeeze %dma_start3A_49 : memref<1x128xi32, #tpu.memory_space<vmem>> -> memref<128xi32, #tpu.memory_space<vmem>>
    %dma_start3A_51 = arith.constant 0 : i32
    %dma_start3A_52 = arith.constant 0 : i32
    %dma_start3A_53 = tpu.memref_slice %arg3[%dma_start3A_51, %dma_start3A_52] : memref<100000x32xf32, #tpu.memory_space<hbm>> -> memref<100000x32xf32, #tpu.memory_space<hbm>>
    tpu.enqueue_indirect_dma source(%dma_start3A_53 : memref<100000x32xf32, #tpu.memory_space<hbm>>) target(%dma_start3A_47 : memref<128x32xf32, #tpu.memory_space<vmem>>) offsets(%dma_start3A_50 : memref<128xi32, #tpu.memory_space<vmem>>) semaphore(%arg8 : memref<!tpu.dma_semaphore, #tpu.memory_space<semaphore_mem>>)
    %dma_start3A_54 = arith.constant 5 : i32
    %dma_start3A_55 = arith.constant 640 : i32
    %dma_start3A_56 = arith.constant 0 : i32
    %dma_start3A_57 = tpu.memref_slice %arg6[%dma_start3A_55, %dma_start3A_56] : memref<1280x32xf32, #tpu.memory_space<vmem>> -> memref<128x32xf32, #tpu.memory_space<vmem>>
    %dma_start3A_58 = arith.constant 0 : i32
    %dma_start3A_59 = tpu.memref_slice %arg5[%dma_start3A_54, %dma_start3A_58] : memref<200x128xi32, #tpu.memory_space<vmem>> -> memref<1x128xi32, #tpu.memory_space<vmem>>
    %dma_start3A_60 = tpu.memref_squeeze %dma_start3A_59 : memref<1x128xi32, #tpu.memory_space<vmem>> -> memref<128xi32, #tpu.memory_space<vmem>>
    %dma_start3A_61 = arith.constant 0 : i32
    %dma_start3A_62 = arith.constant 0 : i32
    %dma_start3A_63 = tpu.memref_slice %arg3[%dma_start3A_61, %dma_start3A_62] : memref<100000x32xf32, #tpu.memory_space<hbm>> -> memref<100000x32xf32, #tpu.memory_space<hbm>>
    tpu.enqueue_indirect_dma source(%dma_start3A_63 : memref<100000x32xf32, #tpu.memory_space<hbm>>) target(%dma_start3A_57 : memref<128x32xf32, #tpu.memory_space<vmem>>) offsets(%dma_start3A_60 : memref<128xi32, #tpu.memory_space<vmem>>) semaphore(%arg8 : memref<!tpu.dma_semaphore, #tpu.memory_space<semaphore_mem>>)
    %dma_start3A_64 = arith.constant 6 : i32
    %dma_start3A_65 = arith.constant 768 : i32
    %dma_start3A_66 = arith.constant 0 : i32
    %dma_start3A_67 = tpu.memref_slice %arg6[%dma_start3A_65, %dma_start3A_66] : memref<1280x32xf32, #tpu.memory_space<vmem>> -> memref<128x32xf32, #tpu.memory_space<vmem>>
    %dma_start3A_68 = arith.constant 0 : i32
    %dma_start3A_69 = tpu.memref_slice %arg5[%dma_start3A_64, %dma_start3A_68] : memref<200x128xi32, #tpu.memory_space<vmem>> -> memref<1x128xi32, #tpu.memory_space<vmem>>
    %dma_start3A_70 = tpu.memref_squeeze %dma_start3A_69 : memref<1x128xi32, #tpu.memory_space<vmem>> -> memref<128xi32, #tpu.memory_space<vmem>>
    %dma_start3A_71 = arith.constant 0 : i32
    %dma_start3A_72 = arith.constant 0 : i32
    %dma_start3A_73 = tpu.memref_slice %arg3[%dma_start3A_71, %dma_start3A_72] : memref<100000x32xf32, #tpu.memory_space<hbm>> -> memref<100000x32xf32, #tpu.memory_space<hbm>>
    tpu.enqueue_indirect_dma source(%dma_start3A_73 : memref<100000x32xf32, #tpu.memory_space<hbm>>) target(%dma_start3A_67 : memref<128x32xf32, #tpu.memory_space<vmem>>) offsets(%dma_start3A_70 : memref<128xi32, #tpu.memory_space<vmem>>) semaphore(%arg8 : memref<!tpu.dma_semaphore, #tpu.memory_space<semaphore_mem>>)
    %dma_start3A_74 = arith.constant 7 : i32
    %dma_start3A_75 = arith.constant 896 : i32
    %dma_start3A_76 = arith.constant 0 : i32
    %dma_start3A_77 = tpu.memref_slice %arg6[%dma_start3A_75, %dma_start3A_76] : memref<1280x32xf32, #tpu.memory_space<vmem>> -> memref<128x32xf32, #tpu.memory_space<vmem>>
    %dma_start3A_78 = arith.constant 0 : i32
    %dma_start3A_79 = tpu.memref_slice %arg5[%dma_start3A_74, %dma_start3A_78] : memref<200x128xi32, #tpu.memory_space<vmem>> -> memref<1x128xi32, #tpu.memory_space<vmem>>
    %dma_start3A_80 = tpu.memref_squeeze %dma_start3A_79 : memref<1x128xi32, #tpu.memory_space<vmem>> -> memref<128xi32, #tpu.memory_space<vmem>>
    %dma_start3A_81 = arith.constant 0 : i32
    %dma_start3A_82 = arith.constant 0 : i32
    %dma_start3A_83 = tpu.memref_slice %arg3[%dma_start3A_81, %dma_start3A_82] : memref<100000x32xf32, #tpu.memory_space<hbm>> -> memref<100000x32xf32, #tpu.memory_space<hbm>>
    tpu.enqueue_indirect_dma source(%dma_start3A_83 : memref<100000x32xf32, #tpu.memory_space<hbm>>) target(%dma_start3A_77 : memref<128x32xf32, #tpu.memory_space<vmem>>) offsets(%dma_start3A_80 : memref<128xi32, #tpu.memory_space<vmem>>) semaphore(%arg8 : memref<!tpu.dma_semaphore, #tpu.memory_space<semaphore_mem>>)
    %dma_start3A_84 = arith.constant 8 : i32
    %dma_start3A_85 = arith.constant 1024 : i32
    %dma_start3A_86 = arith.constant 0 : i32
    %dma_start3A_87 = tpu.memref_slice %arg6[%dma_start3A_85, %dma_start3A_86] : memref<1280x32xf32, #tpu.memory_space<vmem>> -> memref<128x32xf32, #tpu.memory_space<vmem>>
    %dma_start3A_88 = arith.constant 0 : i32
    %dma_start3A_89 = tpu.memref_slice %arg5[%dma_start3A_84, %dma_start3A_88] : memref<200x128xi32, #tpu.memory_space<vmem>> -> memref<1x128xi32, #tpu.memory_space<vmem>>
    %dma_start3A_90 = tpu.memref_squeeze %dma_start3A_89 : memref<1x128xi32, #tpu.memory_space<vmem>> -> memref<128xi32, #tpu.memory_space<vmem>>
    %dma_start3A_91 = arith.constant 0 : i32
    %dma_start3A_92 = arith.constant 0 : i32
    %dma_start3A_93 = tpu.memref_slice %arg3[%dma_start3A_91, %dma_start3A_92] : memref<100000x32xf32, #tpu.memory_space<hbm>> -> memref<100000x32xf32, #tpu.memory_space<hbm>>
    tpu.enqueue_indirect_dma source(%dma_start3A_93 : memref<100000x32xf32, #tpu.memory_space<hbm>>) target(%dma_start3A_87 : memref<128x32xf32, #tpu.memory_space<vmem>>) offsets(%dma_start3A_90 : memref<128xi32, #tpu.memory_space<vmem>>) semaphore(%arg8 : memref<!tpu.dma_semaphore, #tpu.memory_space<semaphore_mem>>)
    %dma_start3A_94 = arith.constant 9 : i32
    %dma_start3A_95 = arith.constant 1152 : i32
    %dma_start3A_96 = arith.constant 0 : i32
    %dma_start3A_97 = tpu.memref_slice %arg6[%dma_start3A_95, %dma_start3A_96] : memref<1280x32xf32, #tpu.memory_space<vmem>> -> memref<128x32xf32, #tpu.memory_space<vmem>>
    %dma_start3A_98 = arith.constant 0 : i32
    %dma_start3A_99 = tpu.memref_slice %arg5[%dma_start3A_94, %dma_start3A_98] : memref<200x128xi32, #tpu.memory_space<vmem>> -> memref<1x128xi32, #tpu.memory_space<vmem>>
    %dma_start3A_100 = tpu.memref_squeeze %dma_start3A_99 : memref<1x128xi32, #tpu.memory_space<vmem>> -> memref<128xi32, #tpu.memory_space<vmem>>
    %dma_start3A_101 = arith.constant 0 : i32
    %dma_start3A_102 = arith.constant 0 : i32
    %dma_start3A_103 = tpu.memref_slice %arg3[%dma_start3A_101, %dma_start3A_102] : memref<100000x32xf32, #tpu.memory_space<hbm>> -> memref<100000x32xf32, #tpu.memory_space<hbm>>
    tpu.enqueue_indirect_dma source(%dma_start3A_103 : memref<100000x32xf32, #tpu.memory_space<hbm>>) target(%dma_start3A_97 : memref<128x32xf32, #tpu.memory_space<vmem>>) offsets(%dma_start3A_100 : memref<128xi32, #tpu.memory_space<vmem>>) semaphore(%arg8 : memref<!tpu.dma_semaphore, #tpu.memory_space<semaphore_mem>>)
    %scan3A = arith.constant 0 : i32
    %scan3A_104 = arith.constant 10 : i32
    %scan3A_105 = arith.addi %scan3A, %scan3A_104 : i32
    %scan3A_106 = arith.constant 1 : i32
    scf.for %scan3A_108 = %scan3A to %scan3A_105 step %scan3A_106  : i32 {
      %mul3A_109 = arith.constant 2 : i32
      %mul3A_110 = arith.muli %scan3A_108, %mul3A_109 : i32
      %add3A_111 = arith.constant 0 : i32
      %add3A_112 = arith.addi %add3A_111, %mul3A_110 : i32
      %dma_wait3A = arith.constant 0 : i32
      %dma_wait3A_113 = arith.constant 0 : i32
      %dma_wait3A_114 = tpu.memref_slice %arg6[%dma_wait3A, %dma_wait3A_113] : memref<1280x32xf32, #tpu.memory_space<vmem>> -> memref<128x32xf32, #tpu.memory_space<vmem>>
      %dma_wait3A_115 = arith.constant 0 : i32
      %dma_wait3A_116 = arith.constant 0 : i32
      %dma_wait3A_117 = tpu.memref_slice %arg3[%dma_wait3A_115, %dma_wait3A_116] : memref<100000x32xf32, #tpu.memory_space<hbm>> -> memref<128x32xf32, #tpu.memory_space<hbm>>
      %dma_wait3A_118 = arith.constant 0 : i32
      %dma_wait3A_119 = arith.constant 0 : i32
      %dma_wait3A_120 = tpu.memref_slice %arg6[%dma_wait3A_118, %dma_wait3A_119] : memref<1280x32xf32, #tpu.memory_space<vmem>> -> memref<128x32xf32, #tpu.memory_space<vmem>>
      %dma_wait3A_121 = arith.constant 0 : i32
      %dma_wait3A_122 = arith.constant 0 : i32
      %dma_wait3A_123 = tpu.memref_slice %arg3[%dma_wait3A_121, %dma_wait3A_122] : memref<100000x32xf32, #tpu.memory_space<hbm>> -> memref<128x32xf32, #tpu.memory_space<hbm>>
      tpu.wait_dma2 semaphore(%arg8 : memref<!tpu.dma_semaphore, #tpu.memory_space<semaphore_mem>>) src(%dma_wait3A_123 : memref<128x32xf32, #tpu.memory_space<hbm>>) dst(%dma_wait3A_120 : memref<128x32xf32, #tpu.memory_space<vmem>>)
      %dma_wait3A_124 = arith.constant 128 : i32
      %dma_wait3A_125 = arith.constant 0 : i32
      %dma_wait3A_126 = tpu.memref_slice %arg6[%dma_wait3A_124, %dma_wait3A_125] : memref<1280x32xf32, #tpu.memory_space<vmem>> -> memref<128x32xf32, #tpu.memory_space<vmem>>
      %dma_wait3A_127 = arith.constant 0 : i32
      %dma_wait3A_128 = arith.constant 0 : i32
      %dma_wait3A_129 = tpu.memref_slice %arg3[%dma_wait3A_127, %dma_wait3A_128] : memref<100000x32xf32, #tpu.memory_space<hbm>> -> memref<128x32xf32, #tpu.memory_space<hbm>>
      %dma_wait3A_130 = arith.constant 128 : i32
      %dma_wait3A_131 = arith.constant 0 : i32
      %dma_wait3A_132 = tpu.memref_slice %arg6[%dma_wait3A_130, %dma_wait3A_131] : memref<1280x32xf32, #tpu.memory_space<vmem>> -> memref<128x32xf32, #tpu.memory_space<vmem>>
      %dma_wait3A_133 = arith.constant 0 : i32
      %dma_wait3A_134 = arith.constant 0 : i32
      %dma_wait3A_135 = tpu.memref_slice %arg3[%dma_wait3A_133, %dma_wait3A_134] : memref<100000x32xf32, #tpu.memory_space<hbm>> -> memref<128x32xf32, #tpu.memory_space<hbm>>
      tpu.wait_dma2 semaphore(%arg8 : memref<!tpu.dma_semaphore, #tpu.memory_space<semaphore_mem>>) src(%dma_wait3A_135 : memref<128x32xf32, #tpu.memory_space<hbm>>) dst(%dma_wait3A_132 : memref<128x32xf32, #tpu.memory_space<vmem>>)
      %dma_wait3A_136 = arith.constant 256 : i32
      %dma_wait3A_137 = arith.constant 0 : i32
      %dma_wait3A_138 = tpu.memref_slice %arg6[%dma_wait3A_136, %dma_wait3A_137] : memref<1280x32xf32, #tpu.memory_space<vmem>> -> memref<128x32xf32, #tpu.memory_space<vmem>>
      %dma_wait3A_139 = arith.constant 0 : i32
      %dma_wait3A_140 = arith.constant 0 : i32
      %dma_wait3A_141 = tpu.memref_slice %arg3[%dma_wait3A_139, %dma_wait3A_140] : memref<100000x32xf32, #tpu.memory_space<hbm>> -> memref<128x32xf32, #tpu.memory_space<hbm>>
      %dma_wait3A_142 = arith.constant 256 : i32
      %dma_wait3A_143 = arith.constant 0 : i32
      %dma_wait3A_144 = tpu.memref_slice %arg6[%dma_wait3A_142, %dma_wait3A_143] : memref<1280x32xf32, #tpu.memory_space<vmem>> -> memref<128x32xf32, #tpu.memory_space<vmem>>
      %dma_wait3A_145 = arith.constant 0 : i32
      %dma_wait3A_146 = arith.constant 0 : i32
      %dma_wait3A_147 = tpu.memref_slice %arg3[%dma_wait3A_145, %dma_wait3A_146] : memref<100000x32xf32, #tpu.memory_space<hbm>> -> memref<128x32xf32, #tpu.memory_space<hbm>>
      tpu.wait_dma2 semaphore(%arg8 : memref<!tpu.dma_semaphore, #tpu.memory_space<semaphore_mem>>) src(%dma_wait3A_147 : memref<128x32xf32, #tpu.memory_space<hbm>>) dst(%dma_wait3A_144 : memref<128x32xf32, #tpu.memory_space<vmem>>)
      %dma_wait3A_148 = arith.constant 384 : i32
      %dma_wait3A_149 = arith.constant 0 : i32
      %dma_wait3A_150 = tpu.memref_slice %arg6[%dma_wait3A_148, %dma_wait3A_149] : memref<1280x32xf32, #tpu.memory_space<vmem>> -> memref<128x32xf32, #tpu.memory_space<vmem>>
      %dma_wait3A_151 = arith.constant 0 : i32
      %dma_wait3A_152 = arith.constant 0 : i32
      %dma_wait3A_153 = tpu.memref_slice %arg3[%dma_wait3A_151, %dma_wait3A_152] : memref<100000x32xf32, #tpu.memory_space<hbm>> -> memref<128x32xf32, #tpu.memory_space<hbm>>
      %dma_wait3A_154 = arith.constant 384 : i32
      %dma_wait3A_155 = arith.constant 0 : i32
      %dma_wait3A_156 = tpu.memref_slice %arg6[%dma_wait3A_154, %dma_wait3A_155] : memref<1280x32xf32, #tpu.memory_space<vmem>> -> memref<128x32xf32, #tpu.memory_space<vmem>>
      %dma_wait3A_157 = arith.constant 0 : i32
      %dma_wait3A_158 = arith.constant 0 : i32
      %dma_wait3A_159 = tpu.memref_slice %arg3[%dma_wait3A_157, %dma_wait3A_158] : memref<100000x32xf32, #tpu.memory_space<hbm>> -> memref<128x32xf32, #tpu.memory_space<hbm>>
      tpu.wait_dma2 semaphore(%arg8 : memref<!tpu.dma_semaphore, #tpu.memory_space<semaphore_mem>>) src(%dma_wait3A_159 : memref<128x32xf32, #tpu.memory_space<hbm>>) dst(%dma_wait3A_156 : memref<128x32xf32, #tpu.memory_space<vmem>>)
      %dma_wait3A_160 = arith.constant 512 : i32
      %dma_wait3A_161 = arith.constant 0 : i32
      %dma_wait3A_162 = tpu.memref_slice %arg6[%dma_wait3A_160, %dma_wait3A_161] : memref<1280x32xf32, #tpu.memory_space<vmem>> -> memref<128x32xf32, #tpu.memory_space<vmem>>
      %dma_wait3A_163 = arith.constant 0 : i32
      %dma_wait3A_164 = arith.constant 0 : i32
      %dma_wait3A_165 = tpu.memref_slice %arg3[%dma_wait3A_163, %dma_wait3A_164] : memref<100000x32xf32, #tpu.memory_space<hbm>> -> memref<128x32xf32, #tpu.memory_space<hbm>>
      %dma_wait3A_166 = arith.constant 512 : i32
      %dma_wait3A_167 = arith.constant 0 : i32
      %dma_wait3A_168 = tpu.memref_slice %arg6[%dma_wait3A_166, %dma_wait3A_167] : memref<1280x32xf32, #tpu.memory_space<vmem>> -> memref<128x32xf32, #tpu.memory_space<vmem>>
      %dma_wait3A_169 = arith.constant 0 : i32
      %dma_wait3A_170 = arith.constant 0 : i32
      %dma_wait3A_171 = tpu.memref_slice %arg3[%dma_wait3A_169, %dma_wait3A_170] : memref<100000x32xf32, #tpu.memory_space<hbm>> -> memref<128x32xf32, #tpu.memory_space<hbm>>
      tpu.wait_dma2 semaphore(%arg8 : memref<!tpu.dma_semaphore, #tpu.memory_space<semaphore_mem>>) src(%dma_wait3A_171 : memref<128x32xf32, #tpu.memory_space<hbm>>) dst(%dma_wait3A_168 : memref<128x32xf32, #tpu.memory_space<vmem>>)
      %dma_wait3A_172 = arith.constant 640 : i32
      %dma_wait3A_173 = arith.constant 0 : i32
      %dma_wait3A_174 = tpu.memref_slice %arg6[%dma_wait3A_172, %dma_wait3A_173] : memref<1280x32xf32, #tpu.memory_space<vmem>> -> memref<128x32xf32, #tpu.memory_space<vmem>>
      %dma_wait3A_175 = arith.constant 0 : i32
      %dma_wait3A_176 = arith.constant 0 : i32
      %dma_wait3A_177 = tpu.memref_slice %arg3[%dma_wait3A_175, %dma_wait3A_176] : memref<100000x32xf32, #tpu.memory_space<hbm>> -> memref<128x32xf32, #tpu.memory_space<hbm>>
      %dma_wait3A_178 = arith.constant 640 : i32
      %dma_wait3A_179 = arith.constant 0 : i32
      %dma_wait3A_180 = tpu.memref_slice %arg6[%dma_wait3A_178, %dma_wait3A_179] : memref<1280x32xf32, #tpu.memory_space<vmem>> -> memref<128x32xf32, #tpu.memory_space<vmem>>
      %dma_wait3A_181 = arith.constant 0 : i32
      %dma_wait3A_182 = arith.constant 0 : i32
      %dma_wait3A_183 = tpu.memref_slice %arg3[%dma_wait3A_181, %dma_wait3A_182] : memref<100000x32xf32, #tpu.memory_space<hbm>> -> memref<128x32xf32, #tpu.memory_space<hbm>>
      tpu.wait_dma2 semaphore(%arg8 : memref<!tpu.dma_semaphore, #tpu.memory_space<semaphore_mem>>) src(%dma_wait3A_183 : memref<128x32xf32, #tpu.memory_space<hbm>>) dst(%dma_wait3A_180 : memref<128x32xf32, #tpu.memory_space<vmem>>)
      %dma_wait3A_184 = arith.constant 768 : i32
      %dma_wait3A_185 = arith.constant 0 : i32
      %dma_wait3A_186 = tpu.memref_slice %arg6[%dma_wait3A_184, %dma_wait3A_185] : memref<1280x32xf32, #tpu.memory_space<vmem>> -> memref<128x32xf32, #tpu.memory_space<vmem>>
      %dma_wait3A_187 = arith.constant 0 : i32
      %dma_wait3A_188 = arith.constant 0 : i32
      %dma_wait3A_189 = tpu.memref_slice %arg3[%dma_wait3A_187, %dma_wait3A_188] : memref<100000x32xf32, #tpu.memory_space<hbm>> -> memref<128x32xf32, #tpu.memory_space<hbm>>
      %dma_wait3A_190 = arith.constant 768 : i32
      %dma_wait3A_191 = arith.constant 0 : i32
      %dma_wait3A_192 = tpu.memref_slice %arg6[%dma_wait3A_190, %dma_wait3A_191] : memref<1280x32xf32, #tpu.memory_space<vmem>> -> memref<128x32xf32, #tpu.memory_space<vmem>>
      %dma_wait3A_193 = arith.constant 0 : i32
      %dma_wait3A_194 = arith.constant 0 : i32
      %dma_wait3A_195 = tpu.memref_slice %arg3[%dma_wait3A_193, %dma_wait3A_194] : memref<100000x32xf32, #tpu.memory_space<hbm>> -> memref<128x32xf32, #tpu.memory_space<hbm>>
      tpu.wait_dma2 semaphore(%arg8 : memref<!tpu.dma_semaphore, #tpu.memory_space<semaphore_mem>>) src(%dma_wait3A_195 : memref<128x32xf32, #tpu.memory_space<hbm>>) dst(%dma_wait3A_192 : memref<128x32xf32, #tpu.memory_space<vmem>>)
      %dma_wait3A_196 = arith.constant 896 : i32
      %dma_wait3A_197 = arith.constant 0 : i32
      %dma_wait3A_198 = tpu.memref_slice %arg6[%dma_wait3A_196, %dma_wait3A_197] : memref<1280x32xf32, #tpu.memory_space<vmem>> -> memref<128x32xf32, #tpu.memory_space<vmem>>
      %dma_wait3A_199 = arith.constant 0 : i32
      %dma_wait3A_200 = arith.constant 0 : i32
      %dma_wait3A_201 = tpu.memref_slice %arg3[%dma_wait3A_199, %dma_wait3A_200] : memref<100000x32xf32, #tpu.memory_space<hbm>> -> memref<128x32xf32, #tpu.memory_space<hbm>>
      %dma_wait3A_202 = arith.constant 896 : i32
      %dma_wait3A_203 = arith.constant 0 : i32
      %dma_wait3A_204 = tpu.memref_slice %arg6[%dma_wait3A_202, %dma_wait3A_203] : memref<1280x32xf32, #tpu.memory_space<vmem>> -> memref<128x32xf32, #tpu.memory_space<vmem>>
      %dma_wait3A_205 = arith.constant 0 : i32
      %dma_wait3A_206 = arith.constant 0 : i32
      %dma_wait3A_207 = tpu.memref_slice %arg3[%dma_wait3A_205, %dma_wait3A_206] : memref<100000x32xf32, #tpu.memory_space<hbm>> -> memref<128x32xf32, #tpu.memory_space<hbm>>
      tpu.wait_dma2 semaphore(%arg8 : memref<!tpu.dma_semaphore, #tpu.memory_space<semaphore_mem>>) src(%dma_wait3A_207 : memref<128x32xf32, #tpu.memory_space<hbm>>) dst(%dma_wait3A_204 : memref<128x32xf32, #tpu.memory_space<vmem>>)
      %dma_wait3A_208 = arith.constant 1024 : i32
      %dma_wait3A_209 = arith.constant 0 : i32
      %dma_wait3A_210 = tpu.memref_slice %arg6[%dma_wait3A_208, %dma_wait3A_209] : memref<1280x32xf32, #tpu.memory_space<vmem>> -> memref<128x32xf32, #tpu.memory_space<vmem>>
      %dma_wait3A_211 = arith.constant 0 : i32
      %dma_wait3A_212 = arith.constant 0 : i32
      %dma_wait3A_213 = tpu.memref_slice %arg3[%dma_wait3A_211, %dma_wait3A_212] : memref<100000x32xf32, #tpu.memory_space<hbm>> -> memref<128x32xf32, #tpu.memory_space<hbm>>
      %dma_wait3A_214 = arith.constant 1024 : i32
      %dma_wait3A_215 = arith.constant 0 : i32
      %dma_wait3A_216 = tpu.memref_slice %arg6[%dma_wait3A_214, %dma_wait3A_215] : memref<1280x32xf32, #tpu.memory_space<vmem>> -> memref<128x32xf32, #tpu.memory_space<vmem>>
      %dma_wait3A_217 = arith.constant 0 : i32
      %dma_wait3A_218 = arith.constant 0 : i32
      %dma_wait3A_219 = tpu.memref_slice %arg3[%dma_wait3A_217, %dma_wait3A_218] : memref<100000x32xf32, #tpu.memory_space<hbm>> -> memref<128x32xf32, #tpu.memory_space<hbm>>
      tpu.wait_dma2 semaphore(%arg8 : memref<!tpu.dma_semaphore, #tpu.memory_space<semaphore_mem>>) src(%dma_wait3A_219 : memref<128x32xf32, #tpu.memory_space<hbm>>) dst(%dma_wait3A_216 : memref<128x32xf32, #tpu.memory_space<vmem>>)
      %dma_wait3A_220 = arith.constant 1152 : i32
      %dma_wait3A_221 = arith.constant 0 : i32
      %dma_wait3A_222 = tpu.memref_slice %arg6[%dma_wait3A_220, %dma_wait3A_221] : memref<1280x32xf32, #tpu.memory_space<vmem>> -> memref<128x32xf32, #tpu.memory_space<vmem>>
      %dma_wait3A_223 = arith.constant 0 : i32
      %dma_wait3A_224 = arith.constant 0 : i32
      %dma_wait3A_225 = tpu.memref_slice %arg3[%dma_wait3A_223, %dma_wait3A_224] : memref<100000x32xf32, #tpu.memory_space<hbm>> -> memref<128x32xf32, #tpu.memory_space<hbm>>
      %dma_wait3A_226 = arith.constant 1152 : i32
      %dma_wait3A_227 = arith.constant 0 : i32
      %dma_wait3A_228 = tpu.memref_slice %arg6[%dma_wait3A_226, %dma_wait3A_227] : memref<1280x32xf32, #tpu.memory_space<vmem>> -> memref<128x32xf32, #tpu.memory_space<vmem>>
      %dma_wait3A_229 = arith.constant 0 : i32
      %dma_wait3A_230 = arith.constant 0 : i32
      %dma_wait3A_231 = tpu.memref_slice %arg3[%dma_wait3A_229, %dma_wait3A_230] : memref<100000x32xf32, #tpu.memory_space<hbm>> -> memref<128x32xf32, #tpu.memory_space<hbm>>
      tpu.wait_dma2 semaphore(%arg8 : memref<!tpu.dma_semaphore, #tpu.memory_space<semaphore_mem>>) src(%dma_wait3A_231 : memref<128x32xf32, #tpu.memory_space<hbm>>) dst(%dma_wait3A_228 : memref<128x32xf32, #tpu.memory_space<vmem>>)
      %add3A_232 = arith.constant 1 : i32
      %add3A_233 = arith.addi %add3A_112, %add3A_232 : i32
      %lt3A = arith.constant 20 : i32
      %lt3A_234 = arith.cmpi slt, %add3A_233, %lt3A : i32
      %convert_element_type3A = arith.extui %lt3A_234 : i1 to i32
      %cond3A = arith.constant 0 : i32
      %cond3A_235 = arith.cmpi ne, %convert_element_type3A, %cond3A : i32
      scf.if %cond3A_235 {
        %add3A_246 = arith.constant 1 : i32
        %add3A_247 = arith.addi %add3A_112, %add3A_246 : i32
        %mul3A_248 = arith.constant 10 : i32
        %mul3A_249 = arith.muli %add3A_247, %mul3A_248 : i32
        %add3A_250 = arith.constant 0 : i32
        %add3A_251 = arith.addi %mul3A_249, %add3A_250 : i32
        %dma_start3A_252 = arith.constant 0 : i32
        %dma_start3A_253 = arith.constant 0 : i32
        %dma_start3A_254 = tpu.memref_slice %arg7[%dma_start3A_252, %dma_start3A_253] : memref<1280x32xf32, #tpu.memory_space<vmem>> -> memref<128x32xf32, #tpu.memory_space<vmem>>
        %dma_start3A_255 = arith.constant 0 : i32
        %dma_start3A_256 = tpu.memref_slice %arg5[%add3A_251, %dma_start3A_255] : memref<200x128xi32, #tpu.memory_space<vmem>> -> memref<1x128xi32, #tpu.memory_space<vmem>>
        %dma_start3A_257 = tpu.memref_squeeze %dma_start3A_256 : memref<1x128xi32, #tpu.memory_space<vmem>> -> memref<128xi32, #tpu.memory_space<vmem>>
        %dma_start3A_258 = arith.constant 0 : i32
        %dma_start3A_259 = arith.constant 0 : i32
        %dma_start3A_260 = tpu.memref_slice %arg3[%dma_start3A_258, %dma_start3A_259] : memref<100000x32xf32, #tpu.memory_space<hbm>> -> memref<100000x32xf32, #tpu.memory_space<hbm>>
        tpu.enqueue_indirect_dma source(%dma_start3A_260 : memref<100000x32xf32, #tpu.memory_space<hbm>>) target(%dma_start3A_254 : memref<128x32xf32, #tpu.memory_space<vmem>>) offsets(%dma_start3A_257 : memref<128xi32, #tpu.memory_space<vmem>>) semaphore(%arg8 : memref<!tpu.dma_semaphore, #tpu.memory_space<semaphore_mem>>)
        %mul3A_261 = arith.constant 10 : i32
        %mul3A_262 = arith.muli %add3A_247, %mul3A_261 : i32
        %add3A_263 = arith.constant 1 : i32
        %add3A_264 = arith.addi %mul3A_262, %add3A_263 : i32
        %dma_start3A_265 = arith.constant 128 : i32
        %dma_start3A_266 = arith.constant 0 : i32
        %dma_start3A_267 = tpu.memref_slice %arg7[%dma_start3A_265, %dma_start3A_266] : memref<1280x32xf32, #tpu.memory_space<vmem>> -> memref<128x32xf32, #tpu.memory_space<vmem>>
        %dma_start3A_268 = arith.constant 0 : i32
        %dma_start3A_269 = tpu.memref_slice %arg5[%add3A_264, %dma_start3A_268] : memref<200x128xi32, #tpu.memory_space<vmem>> -> memref<1x128xi32, #tpu.memory_space<vmem>>
        %dma_start3A_270 = tpu.memref_squeeze %dma_start3A_269 : memref<1x128xi32, #tpu.memory_space<vmem>> -> memref<128xi32, #tpu.memory_space<vmem>>
        %dma_start3A_271 = arith.constant 0 : i32
        %dma_start3A_272 = arith.constant 0 : i32
        %dma_start3A_273 = tpu.memref_slice %arg3[%dma_start3A_271, %dma_start3A_272] : memref<100000x32xf32, #tpu.memory_space<hbm>> -> memref<100000x32xf32, #tpu.memory_space<hbm>>
        tpu.enqueue_indirect_dma source(%dma_start3A_273 : memref<100000x32xf32, #tpu.memory_space<hbm>>) target(%dma_start3A_267 : memref<128x32xf32, #tpu.memory_space<vmem>>) offsets(%dma_start3A_270 : memref<128xi32, #tpu.memory_space<vmem>>) semaphore(%arg8 : memref<!tpu.dma_semaphore, #tpu.memory_space<semaphore_mem>>)
        %mul3A_274 = arith.constant 10 : i32
        %mul3A_275 = arith.muli %add3A_247, %mul3A_274 : i32
        %add3A_276 = arith.constant 2 : i32
        %add3A_277 = arith.addi %mul3A_275, %add3A_276 : i32
        %dma_start3A_278 = arith.constant 256 : i32
        %dma_start3A_279 = arith.constant 0 : i32
        %dma_start3A_280 = tpu.memref_slice %arg7[%dma_start3A_278, %dma_start3A_279] : memref<1280x32xf32, #tpu.memory_space<vmem>> -> memref<128x32xf32, #tpu.memory_space<vmem>>
        %dma_start3A_281 = arith.constant 0 : i32
        %dma_start3A_282 = tpu.memref_slice %arg5[%add3A_277, %dma_start3A_281] : memref<200x128xi32, #tpu.memory_space<vmem>> -> memref<1x128xi32, #tpu.memory_space<vmem>>
        %dma_start3A_283 = tpu.memref_squeeze %dma_start3A_282 : memref<1x128xi32, #tpu.memory_space<vmem>> -> memref<128xi32, #tpu.memory_space<vmem>>
        %dma_start3A_284 = arith.constant 0 : i32
        %dma_start3A_285 = arith.constant 0 : i32
        %dma_start3A_286 = tpu.memref_slice %arg3[%dma_start3A_284, %dma_start3A_285] : memref<100000x32xf32, #tpu.memory_space<hbm>> -> memref<100000x32xf32, #tpu.memory_space<hbm>>
        tpu.enqueue_indirect_dma source(%dma_start3A_286 : memref<100000x32xf32, #tpu.memory_space<hbm>>) target(%dma_start3A_280 : memref<128x32xf32, #tpu.memory_space<vmem>>) offsets(%dma_start3A_283 : memref<128xi32, #tpu.memory_space<vmem>>) semaphore(%arg8 : memref<!tpu.dma_semaphore, #tpu.memory_space<semaphore_mem>>)
        %mul3A_287 = arith.constant 10 : i32
        %mul3A_288 = arith.muli %add3A_247, %mul3A_287 : i32
        %add3A_289 = arith.constant 3 : i32
        %add3A_290 = arith.addi %mul3A_288, %add3A_289 : i32
        %dma_start3A_291 = arith.constant 384 : i32
        %dma_start3A_292 = arith.constant 0 : i32
        %dma_start3A_293 = tpu.memref_slice %arg7[%dma_start3A_291, %dma_start3A_292] : memref<1280x32xf32, #tpu.memory_space<vmem>> -> memref<128x32xf32, #tpu.memory_space<vmem>>
        %dma_start3A_294 = arith.constant 0 : i32
        %dma_start3A_295 = tpu.memref_slice %arg5[%add3A_290, %dma_start3A_294] : memref<200x128xi32, #tpu.memory_space<vmem>> -> memref<1x128xi32, #tpu.memory_space<vmem>>
        %dma_start3A_296 = tpu.memref_squeeze %dma_start3A_295 : memref<1x128xi32, #tpu.memory_space<vmem>> -> memref<128xi32, #tpu.memory_space<vmem>>
        %dma_start3A_297 = arith.constant 0 : i32
        %dma_start3A_298 = arith.constant 0 : i32
        %dma_start3A_299 = tpu.memref_slice %arg3[%dma_start3A_297, %dma_start3A_298] : memref<100000x32xf32, #tpu.memory_space<hbm>> -> memref<100000x32xf32, #tpu.memory_space<hbm>>
        tpu.enqueue_indirect_dma source(%dma_start3A_299 : memref<100000x32xf32, #tpu.memory_space<hbm>>) target(%dma_start3A_293 : memref<128x32xf32, #tpu.memory_space<vmem>>) offsets(%dma_start3A_296 : memref<128xi32, #tpu.memory_space<vmem>>) semaphore(%arg8 : memref<!tpu.dma_semaphore, #tpu.memory_space<semaphore_mem>>)
        %mul3A_300 = arith.constant 10 : i32
        %mul3A_301 = arith.muli %add3A_247, %mul3A_300 : i32
        %add3A_302 = arith.constant 4 : i32
        %add3A_303 = arith.addi %mul3A_301, %add3A_302 : i32
        %dma_start3A_304 = arith.constant 512 : i32
        %dma_start3A_305 = arith.constant 0 : i32
        %dma_start3A_306 = tpu.memref_slice %arg7[%dma_start3A_304, %dma_start3A_305] : memref<1280x32xf32, #tpu.memory_space<vmem>> -> memref<128x32xf32, #tpu.memory_space<vmem>>
        %dma_start3A_307 = arith.constant 0 : i32
        %dma_start3A_308 = tpu.memref_slice %arg5[%add3A_303, %dma_start3A_307] : memref<200x128xi32, #tpu.memory_space<vmem>> -> memref<1x128xi32, #tpu.memory_space<vmem>>
        %dma_start3A_309 = tpu.memref_squeeze %dma_start3A_308 : memref<1x128xi32, #tpu.memory_space<vmem>> -> memref<128xi32, #tpu.memory_space<vmem>>
        %dma_start3A_310 = arith.constant 0 : i32
        %dma_start3A_311 = arith.constant 0 : i32
        %dma_start3A_312 = tpu.memref_slice %arg3[%dma_start3A_310, %dma_start3A_311] : memref<100000x32xf32, #tpu.memory_space<hbm>> -> memref<100000x32xf32, #tpu.memory_space<hbm>>
        tpu.enqueue_indirect_dma source(%dma_start3A_312 : memref<100000x32xf32, #tpu.memory_space<hbm>>) target(%dma_start3A_306 : memref<128x32xf32, #tpu.memory_space<vmem>>) offsets(%dma_start3A_309 : memref<128xi32, #tpu.memory_space<vmem>>) semaphore(%arg8 : memref<!tpu.dma_semaphore, #tpu.memory_space<semaphore_mem>>)
        %mul3A_313 = arith.constant 10 : i32
        %mul3A_314 = arith.muli %add3A_247, %mul3A_313 : i32
        %add3A_315 = arith.constant 5 : i32
        %add3A_316 = arith.addi %mul3A_314, %add3A_315 : i32
        %dma_start3A_317 = arith.constant 640 : i32
        %dma_start3A_318 = arith.constant 0 : i32
        %dma_start3A_319 = tpu.memref_slice %arg7[%dma_start3A_317, %dma_start3A_318] : memref<1280x32xf32, #tpu.memory_space<vmem>> -> memref<128x32xf32, #tpu.memory_space<vmem>>
        %dma_start3A_320 = arith.constant 0 : i32
        %dma_start3A_321 = tpu.memref_slice %arg5[%add3A_316, %dma_start3A_320] : memref<200x128xi32, #tpu.memory_space<vmem>> -> memref<1x128xi32, #tpu.memory_space<vmem>>
        %dma_start3A_322 = tpu.memref_squeeze %dma_start3A_321 : memref<1x128xi32, #tpu.memory_space<vmem>> -> memref<128xi32, #tpu.memory_space<vmem>>
        %dma_start3A_323 = arith.constant 0 : i32
        %dma_start3A_324 = arith.constant 0 : i32
        %dma_start3A_325 = tpu.memref_slice %arg3[%dma_start3A_323, %dma_start3A_324] : memref<100000x32xf32, #tpu.memory_space<hbm>> -> memref<100000x32xf32, #tpu.memory_space<hbm>>
        tpu.enqueue_indirect_dma source(%dma_start3A_325 : memref<100000x32xf32, #tpu.memory_space<hbm>>) target(%dma_start3A_319 : memref<128x32xf32, #tpu.memory_space<vmem>>) offsets(%dma_start3A_322 : memref<128xi32, #tpu.memory_space<vmem>>) semaphore(%arg8 : memref<!tpu.dma_semaphore, #tpu.memory_space<semaphore_mem>>)
        %mul3A_326 = arith.constant 10 : i32
        %mul3A_327 = arith.muli %add3A_247, %mul3A_326 : i32
        %add3A_328 = arith.constant 6 : i32
        %add3A_329 = arith.addi %mul3A_327, %add3A_328 : i32
        %dma_start3A_330 = arith.constant 768 : i32
        %dma_start3A_331 = arith.constant 0 : i32
        %dma_start3A_332 = tpu.memref_slice %arg7[%dma_start3A_330, %dma_start3A_331] : memref<1280x32xf32, #tpu.memory_space<vmem>> -> memref<128x32xf32, #tpu.memory_space<vmem>>
        %dma_start3A_333 = arith.constant 0 : i32
        %dma_start3A_334 = tpu.memref_slice %arg5[%add3A_329, %dma_start3A_333] : memref<200x128xi32, #tpu.memory_space<vmem>> -> memref<1x128xi32, #tpu.memory_space<vmem>>
        %dma_start3A_335 = tpu.memref_squeeze %dma_start3A_334 : memref<1x128xi32, #tpu.memory_space<vmem>> -> memref<128xi32, #tpu.memory_space<vmem>>
        %dma_start3A_336 = arith.constant 0 : i32
        %dma_start3A_337 = arith.constant 0 : i32
        %dma_start3A_338 = tpu.memref_slice %arg3[%dma_start3A_336, %dma_start3A_337] : memref<100000x32xf32, #tpu.memory_space<hbm>> -> memref<100000x32xf32, #tpu.memory_space<hbm>>
        tpu.enqueue_indirect_dma source(%dma_start3A_338 : memref<100000x32xf32, #tpu.memory_space<hbm>>) target(%dma_start3A_332 : memref<128x32xf32, #tpu.memory_space<vmem>>) offsets(%dma_start3A_335 : memref<128xi32, #tpu.memory_space<vmem>>) semaphore(%arg8 : memref<!tpu.dma_semaphore, #tpu.memory_space<semaphore_mem>>)
        %mul3A_339 = arith.constant 10 : i32
        %mul3A_340 = arith.muli %add3A_247, %mul3A_339 : i32
        %add3A_341 = arith.constant 7 : i32
        %add3A_342 = arith.addi %mul3A_340, %add3A_341 : i32
        %dma_start3A_343 = arith.constant 896 : i32
        %dma_start3A_344 = arith.constant 0 : i32
        %dma_start3A_345 = tpu.memref_slice %arg7[%dma_start3A_343, %dma_start3A_344] : memref<1280x32xf32, #tpu.memory_space<vmem>> -> memref<128x32xf32, #tpu.memory_space<vmem>>
        %dma_start3A_346 = arith.constant 0 : i32
        %dma_start3A_347 = tpu.memref_slice %arg5[%add3A_342, %dma_start3A_346] : memref<200x128xi32, #tpu.memory_space<vmem>> -> memref<1x128xi32, #tpu.memory_space<vmem>>
        %dma_start3A_348 = tpu.memref_squeeze %dma_start3A_347 : memref<1x128xi32, #tpu.memory_space<vmem>> -> memref<128xi32, #tpu.memory_space<vmem>>
        %dma_start3A_349 = arith.constant 0 : i32
        %dma_start3A_350 = arith.constant 0 : i32
        %dma_start3A_351 = tpu.memref_slice %arg3[%dma_start3A_349, %dma_start3A_350] : memref<100000x32xf32, #tpu.memory_space<hbm>> -> memref<100000x32xf32, #tpu.memory_space<hbm>>
        tpu.enqueue_indirect_dma source(%dma_start3A_351 : memref<100000x32xf32, #tpu.memory_space<hbm>>) target(%dma_start3A_345 : memref<128x32xf32, #tpu.memory_space<vmem>>) offsets(%dma_start3A_348 : memref<128xi32, #tpu.memory_space<vmem>>) semaphore(%arg8 : memref<!tpu.dma_semaphore, #tpu.memory_space<semaphore_mem>>)
        %mul3A_352 = arith.constant 10 : i32
        %mul3A_353 = arith.muli %add3A_247, %mul3A_352 : i32
        %add3A_354 = arith.constant 8 : i32
        %add3A_355 = arith.addi %mul3A_353, %add3A_354 : i32
        %dma_start3A_356 = arith.constant 1024 : i32
        %dma_start3A_357 = arith.constant 0 : i32
        %dma_start3A_358 = tpu.memref_slice %arg7[%dma_start3A_356, %dma_start3A_357] : memref<1280x32xf32, #tpu.memory_space<vmem>> -> memref<128x32xf32, #tpu.memory_space<vmem>>
        %dma_start3A_359 = arith.constant 0 : i32
        %dma_start3A_360 = tpu.memref_slice %arg5[%add3A_355, %dma_start3A_359] : memref<200x128xi32, #tpu.memory_space<vmem>> -> memref<1x128xi32, #tpu.memory_space<vmem>>
        %dma_start3A_361 = tpu.memref_squeeze %dma_start3A_360 : memref<1x128xi32, #tpu.memory_space<vmem>> -> memref<128xi32, #tpu.memory_space<vmem>>
        %dma_start3A_362 = arith.constant 0 : i32
        %dma_start3A_363 = arith.constant 0 : i32
        %dma_start3A_364 = tpu.memref_slice %arg3[%dma_start3A_362, %dma_start3A_363] : memref<100000x32xf32, #tpu.memory_space<hbm>> -> memref<100000x32xf32, #tpu.memory_space<hbm>>
        tpu.enqueue_indirect_dma source(%dma_start3A_364 : memref<100000x32xf32, #tpu.memory_space<hbm>>) target(%dma_start3A_358 : memref<128x32xf32, #tpu.memory_space<vmem>>) offsets(%dma_start3A_361 : memref<128xi32, #tpu.memory_space<vmem>>) semaphore(%arg8 : memref<!tpu.dma_semaphore, #tpu.memory_space<semaphore_mem>>)
        %mul3A_365 = arith.constant 10 : i32
        %mul3A_366 = arith.muli %add3A_247, %mul3A_365 : i32
        %add3A_367 = arith.constant 9 : i32
        %add3A_368 = arith.addi %mul3A_366, %add3A_367 : i32
        %dma_start3A_369 = arith.constant 1152 : i32
        %dma_start3A_370 = arith.constant 0 : i32
        %dma_start3A_371 = tpu.memref_slice %arg7[%dma_start3A_369, %dma_start3A_370] : memref<1280x32xf32, #tpu.memory_space<vmem>> -> memref<128x32xf32, #tpu.memory_space<vmem>>
        %dma_start3A_372 = arith.constant 0 : i32
        %dma_start3A_373 = tpu.memref_slice %arg5[%add3A_368, %dma_start3A_372] : memref<200x128xi32, #tpu.memory_space<vmem>> -> memref<1x128xi32, #tpu.memory_space<vmem>>
        %dma_start3A_374 = tpu.memref_squeeze %dma_start3A_373 : memref<1x128xi32, #tpu.memory_space<vmem>> -> memref<128xi32, #tpu.memory_space<vmem>>
        %dma_start3A_375 = arith.constant 0 : i32
        %dma_start3A_376 = arith.constant 0 : i32
        %dma_start3A_377 = tpu.memref_slice %arg3[%dma_start3A_375, %dma_start3A_376] : memref<100000x32xf32, #tpu.memory_space<hbm>> -> memref<100000x32xf32, #tpu.memory_space<hbm>>
        tpu.enqueue_indirect_dma source(%dma_start3A_377 : memref<100000x32xf32, #tpu.memory_space<hbm>>) target(%dma_start3A_371 : memref<128x32xf32, #tpu.memory_space<vmem>>) offsets(%dma_start3A_374 : memref<128xi32, #tpu.memory_space<vmem>>) semaphore(%arg8 : memref<!tpu.dma_semaphore, #tpu.memory_space<semaphore_mem>>)
      } else {
      }
      %mul3A_236 = arith.constant 1280 : i32
      %mul3A_237 = arith.muli %add3A_112, %mul3A_236 : i32
      %add3A_238 = arith.addi %mul3A_4, %mul3A_237 : i32
      "tpu.region"() ({
        %run_scoped3A = tpu.sem_alloc : memref<!tpu.dma_semaphore, #tpu.memory_space<semaphore_mem>>
        %dma_start3A_246 = arith.constant 0 : i32
        %dma_start3A_247 = tpu.memref_slice %arg4[%add3A_238, %dma_start3A_246] : memref<819200x32xf32, #tpu.memory_space<hbm>> -> memref<1280x32xf32, #tpu.memory_space<hbm>>
        %dma_start3A_248 = arith.constant 0 : i32
        %dma_start3A_249 = tpu.memref_slice %arg4[%add3A_238, %dma_start3A_248] : memref<819200x32xf32, #tpu.memory_space<hbm>> -> memref<1280x32xf32, #tpu.memory_space<hbm>>
        tpu.enqueue_dma source(%arg6 : memref<1280x32xf32, #tpu.memory_space<vmem>>) target(%dma_start3A_249 : memref<1280x32xf32, #tpu.memory_space<hbm>>) target_semaphore(%run_scoped3A : memref<!tpu.dma_semaphore, #tpu.memory_space<semaphore_mem>>)
        %dma_wait3A_250 = arith.constant 0 : i32
        %dma_wait3A_251 = tpu.memref_slice %arg4[%add3A_238, %dma_wait3A_250] : memref<819200x32xf32, #tpu.memory_space<hbm>> -> memref<1280x32xf32, #tpu.memory_space<hbm>>
        %dma_wait3A_252 = arith.constant 0 : i32
        %dma_wait3A_253 = tpu.memref_slice %arg4[%add3A_238, %dma_wait3A_252] : memref<819200x32xf32, #tpu.memory_space<hbm>> -> memref<1280x32xf32, #tpu.memory_space<hbm>>
        tpu.wait_dma2 semaphore(%run_scoped3A : memref<!tpu.dma_semaphore, #tpu.memory_space<semaphore_mem>>) src(%arg6 : memref<1280x32xf32, #tpu.memory_space<vmem>>) dst(%dma_wait3A_253 : memref<1280x32xf32, #tpu.memory_space<hbm>>)
        tpu.yield
      }) : () -> ()
      %add3A_239 = arith.constant 1 : i32
      %add3A_240 = arith.addi %add3A_112, %add3A_239 : i32
      %lt3A_241 = arith.constant 20 : i32
      %lt3A_242 = arith.cmpi slt, %add3A_240, %lt3A_241 : i32
      %convert_element_type3A_243 = arith.extui %lt3A_242 : i1 to i32
      %cond3A_244 = arith.constant 0 : i32
      %cond3A_245 = arith.cmpi ne, %convert_element_type3A_243, %cond3A_244 : i32
      scf.if %cond3A_245 {
        %dma_wait3A_246 = arith.constant 0 : i32
        %dma_wait3A_247 = arith.constant 0 : i32
        %dma_wait3A_248 = tpu.memref_slice %arg7[%dma_wait3A_246, %dma_wait3A_247] : memref<1280x32xf32, #tpu.memory_space<vmem>> -> memref<128x32xf32, #tpu.memory_space<vmem>>
        %dma_wait3A_249 = arith.constant 0 : i32
        %dma_wait3A_250 = arith.constant 0 : i32
        %dma_wait3A_251 = tpu.memref_slice %arg3[%dma_wait3A_249, %dma_wait3A_250] : memref<100000x32xf32, #tpu.memory_space<hbm>> -> memref<128x32xf32, #tpu.memory_space<hbm>>
        %dma_wait3A_252 = arith.constant 0 : i32
        %dma_wait3A_253 = arith.constant 0 : i32
        %dma_wait3A_254 = tpu.memref_slice %arg7[%dma_wait3A_252, %dma_wait3A_253] : memref<1280x32xf32, #tpu.memory_space<vmem>> -> memref<128x32xf32, #tpu.memory_space<vmem>>
        %dma_wait3A_255 = arith.constant 0 : i32
        %dma_wait3A_256 = arith.constant 0 : i32
        %dma_wait3A_257 = tpu.memref_slice %arg3[%dma_wait3A_255, %dma_wait3A_256] : memref<100000x32xf32, #tpu.memory_space<hbm>> -> memref<128x32xf32, #tpu.memory_space<hbm>>
        tpu.wait_dma2 semaphore(%arg8 : memref<!tpu.dma_semaphore, #tpu.memory_space<semaphore_mem>>) src(%dma_wait3A_257 : memref<128x32xf32, #tpu.memory_space<hbm>>) dst(%dma_wait3A_254 : memref<128x32xf32, #tpu.memory_space<vmem>>)
        %dma_wait3A_258 = arith.constant 128 : i32
        %dma_wait3A_259 = arith.constant 0 : i32
        %dma_wait3A_260 = tpu.memref_slice %arg7[%dma_wait3A_258, %dma_wait3A_259] : memref<1280x32xf32, #tpu.memory_space<vmem>> -> memref<128x32xf32, #tpu.memory_space<vmem>>
        %dma_wait3A_261 = arith.constant 0 : i32
        %dma_wait3A_262 = arith.constant 0 : i32
        %dma_wait3A_263 = tpu.memref_slice %arg3[%dma_wait3A_261, %dma_wait3A_262] : memref<100000x32xf32, #tpu.memory_space<hbm>> -> memref<128x32xf32, #tpu.memory_space<hbm>>
        %dma_wait3A_264 = arith.constant 128 : i32
        %dma_wait3A_265 = arith.constant 0 : i32
        %dma_wait3A_266 = tpu.memref_slice %arg7[%dma_wait3A_264, %dma_wait3A_265] : memref<1280x32xf32, #tpu.memory_space<vmem>> -> memref<128x32xf32, #tpu.memory_space<vmem>>
        %dma_wait3A_267 = arith.constant 0 : i32
        %dma_wait3A_268 = arith.constant 0 : i32
        %dma_wait3A_269 = tpu.memref_slice %arg3[%dma_wait3A_267, %dma_wait3A_268] : memref<100000x32xf32, #tpu.memory_space<hbm>> -> memref<128x32xf32, #tpu.memory_space<hbm>>
        tpu.wait_dma2 semaphore(%arg8 : memref<!tpu.dma_semaphore, #tpu.memory_space<semaphore_mem>>) src(%dma_wait3A_269 : memref<128x32xf32, #tpu.memory_space<hbm>>) dst(%dma_wait3A_266 : memref<128x32xf32, #tpu.memory_space<vmem>>)
        %dma_wait3A_270 = arith.constant 256 : i32
        %dma_wait3A_271 = arith.constant 0 : i32
        %dma_wait3A_272 = tpu.memref_slice %arg7[%dma_wait3A_270, %dma_wait3A_271] : memref<1280x32xf32, #tpu.memory_space<vmem>> -> memref<128x32xf32, #tpu.memory_space<vmem>>
        %dma_wait3A_273 = arith.constant 0 : i32
        %dma_wait3A_274 = arith.constant 0 : i32
        %dma_wait3A_275 = tpu.memref_slice %arg3[%dma_wait3A_273, %dma_wait3A_274] : memref<100000x32xf32, #tpu.memory_space<hbm>> -> memref<128x32xf32, #tpu.memory_space<hbm>>
        %dma_wait3A_276 = arith.constant 256 : i32
        %dma_wait3A_277 = arith.constant 0 : i32
        %dma_wait3A_278 = tpu.memref_slice %arg7[%dma_wait3A_276, %dma_wait3A_277] : memref<1280x32xf32, #tpu.memory_space<vmem>> -> memref<128x32xf32, #tpu.memory_space<vmem>>
        %dma_wait3A_279 = arith.constant 0 : i32
        %dma_wait3A_280 = arith.constant 0 : i32
        %dma_wait3A_281 = tpu.memref_slice %arg3[%dma_wait3A_279, %dma_wait3A_280] : memref<100000x32xf32, #tpu.memory_space<hbm>> -> memref<128x32xf32, #tpu.memory_space<hbm>>
        tpu.wait_dma2 semaphore(%arg8 : memref<!tpu.dma_semaphore, #tpu.memory_space<semaphore_mem>>) src(%dma_wait3A_281 : memref<128x32xf32, #tpu.memory_space<hbm>>) dst(%dma_wait3A_278 : memref<128x32xf32, #tpu.memory_space<vmem>>)
        %dma_wait3A_282 = arith.constant 384 : i32
        %dma_wait3A_283 = arith.constant 0 : i32
        %dma_wait3A_284 = tpu.memref_slice %arg7[%dma_wait3A_282, %dma_wait3A_283] : memref<1280x32xf32, #tpu.memory_space<vmem>> -> memref<128x32xf32, #tpu.memory_space<vmem>>
        %dma_wait3A_285 = arith.constant 0 : i32
        %dma_wait3A_286 = arith.constant 0 : i32
        %dma_wait3A_287 = tpu.memref_slice %arg3[%dma_wait3A_285, %dma_wait3A_286] : memref<100000x32xf32, #tpu.memory_space<hbm>> -> memref<128x32xf32, #tpu.memory_space<hbm>>
        %dma_wait3A_288 = arith.constant 384 : i32
        %dma_wait3A_289 = arith.constant 0 : i32
        %dma_wait3A_290 = tpu.memref_slice %arg7[%dma_wait3A_288, %dma_wait3A_289] : memref<1280x32xf32, #tpu.memory_space<vmem>> -> memref<128x32xf32, #tpu.memory_space<vmem>>
        %dma_wait3A_291 = arith.constant 0 : i32
        %dma_wait3A_292 = arith.constant 0 : i32
        %dma_wait3A_293 = tpu.memref_slice %arg3[%dma_wait3A_291, %dma_wait3A_292] : memref<100000x32xf32, #tpu.memory_space<hbm>> -> memref<128x32xf32, #tpu.memory_space<hbm>>
        tpu.wait_dma2 semaphore(%arg8 : memref<!tpu.dma_semaphore, #tpu.memory_space<semaphore_mem>>) src(%dma_wait3A_293 : memref<128x32xf32, #tpu.memory_space<hbm>>) dst(%dma_wait3A_290 : memref<128x32xf32, #tpu.memory_space<vmem>>)
        %dma_wait3A_294 = arith.constant 512 : i32
        %dma_wait3A_295 = arith.constant 0 : i32
        %dma_wait3A_296 = tpu.memref_slice %arg7[%dma_wait3A_294, %dma_wait3A_295] : memref<1280x32xf32, #tpu.memory_space<vmem>> -> memref<128x32xf32, #tpu.memory_space<vmem>>
        %dma_wait3A_297 = arith.constant 0 : i32
        %dma_wait3A_298 = arith.constant 0 : i32
        %dma_wait3A_299 = tpu.memref_slice %arg3[%dma_wait3A_297, %dma_wait3A_298] : memref<100000x32xf32, #tpu.memory_space<hbm>> -> memref<128x32xf32, #tpu.memory_space<hbm>>
        %dma_wait3A_300 = arith.constant 512 : i32
        %dma_wait3A_301 = arith.constant 0 : i32
        %dma_wait3A_302 = tpu.memref_slice %arg7[%dma_wait3A_300, %dma_wait3A_301] : memref<1280x32xf32, #tpu.memory_space<vmem>> -> memref<128x32xf32, #tpu.memory_space<vmem>>
        %dma_wait3A_303 = arith.constant 0 : i32
        %dma_wait3A_304 = arith.constant 0 : i32
        %dma_wait3A_305 = tpu.memref_slice %arg3[%dma_wait3A_303, %dma_wait3A_304] : memref<100000x32xf32, #tpu.memory_space<hbm>> -> memref<128x32xf32, #tpu.memory_space<hbm>>
        tpu.wait_dma2 semaphore(%arg8 : memref<!tpu.dma_semaphore, #tpu.memory_space<semaphore_mem>>) src(%dma_wait3A_305 : memref<128x32xf32, #tpu.memory_space<hbm>>) dst(%dma_wait3A_302 : memref<128x32xf32, #tpu.memory_space<vmem>>)
        %dma_wait3A_306 = arith.constant 640 : i32
        %dma_wait3A_307 = arith.constant 0 : i32
        %dma_wait3A_308 = tpu.memref_slice %arg7[%dma_wait3A_306, %dma_wait3A_307] : memref<1280x32xf32, #tpu.memory_space<vmem>> -> memref<128x32xf32, #tpu.memory_space<vmem>>
        %dma_wait3A_309 = arith.constant 0 : i32
        %dma_wait3A_310 = arith.constant 0 : i32
        %dma_wait3A_311 = tpu.memref_slice %arg3[%dma_wait3A_309, %dma_wait3A_310] : memref<100000x32xf32, #tpu.memory_space<hbm>> -> memref<128x32xf32, #tpu.memory_space<hbm>>
        %dma_wait3A_312 = arith.constant 640 : i32
        %dma_wait3A_313 = arith.constant 0 : i32
        %dma_wait3A_314 = tpu.memref_slice %arg7[%dma_wait3A_312, %dma_wait3A_313] : memref<1280x32xf32, #tpu.memory_space<vmem>> -> memref<128x32xf32, #tpu.memory_space<vmem>>
        %dma_wait3A_315 = arith.constant 0 : i32
        %dma_wait3A_316 = arith.constant 0 : i32
        %dma_wait3A_317 = tpu.memref_slice %arg3[%dma_wait3A_315, %dma_wait3A_316] : memref<100000x32xf32, #tpu.memory_space<hbm>> -> memref<128x32xf32, #tpu.memory_space<hbm>>
        tpu.wait_dma2 semaphore(%arg8 : memref<!tpu.dma_semaphore, #tpu.memory_space<semaphore_mem>>) src(%dma_wait3A_317 : memref<128x32xf32, #tpu.memory_space<hbm>>) dst(%dma_wait3A_314 : memref<128x32xf32, #tpu.memory_space<vmem>>)
        %dma_wait3A_318 = arith.constant 768 : i32
        %dma_wait3A_319 = arith.constant 0 : i32
        %dma_wait3A_320 = tpu.memref_slice %arg7[%dma_wait3A_318, %dma_wait3A_319] : memref<1280x32xf32, #tpu.memory_space<vmem>> -> memref<128x32xf32, #tpu.memory_space<vmem>>
        %dma_wait3A_321 = arith.constant 0 : i32
        %dma_wait3A_322 = arith.constant 0 : i32
        %dma_wait3A_323 = tpu.memref_slice %arg3[%dma_wait3A_321, %dma_wait3A_322] : memref<100000x32xf32, #tpu.memory_space<hbm>> -> memref<128x32xf32, #tpu.memory_space<hbm>>
        %dma_wait3A_324 = arith.constant 768 : i32
        %dma_wait3A_325 = arith.constant 0 : i32
        %dma_wait3A_326 = tpu.memref_slice %arg7[%dma_wait3A_324, %dma_wait3A_325] : memref<1280x32xf32, #tpu.memory_space<vmem>> -> memref<128x32xf32, #tpu.memory_space<vmem>>
        %dma_wait3A_327 = arith.constant 0 : i32
        %dma_wait3A_328 = arith.constant 0 : i32
        %dma_wait3A_329 = tpu.memref_slice %arg3[%dma_wait3A_327, %dma_wait3A_328] : memref<100000x32xf32, #tpu.memory_space<hbm>> -> memref<128x32xf32, #tpu.memory_space<hbm>>
        tpu.wait_dma2 semaphore(%arg8 : memref<!tpu.dma_semaphore, #tpu.memory_space<semaphore_mem>>) src(%dma_wait3A_329 : memref<128x32xf32, #tpu.memory_space<hbm>>) dst(%dma_wait3A_326 : memref<128x32xf32, #tpu.memory_space<vmem>>)
        %dma_wait3A_330 = arith.constant 896 : i32
        %dma_wait3A_331 = arith.constant 0 : i32
        %dma_wait3A_332 = tpu.memref_slice %arg7[%dma_wait3A_330, %dma_wait3A_331] : memref<1280x32xf32, #tpu.memory_space<vmem>> -> memref<128x32xf32, #tpu.memory_space<vmem>>
        %dma_wait3A_333 = arith.constant 0 : i32
        %dma_wait3A_334 = arith.constant 0 : i32
        %dma_wait3A_335 = tpu.memref_slice %arg3[%dma_wait3A_333, %dma_wait3A_334] : memref<100000x32xf32, #tpu.memory_space<hbm>> -> memref<128x32xf32, #tpu.memory_space<hbm>>
        %dma_wait3A_336 = arith.constant 896 : i32
        %dma_wait3A_337 = arith.constant 0 : i32
        %dma_wait3A_338 = tpu.memref_slice %arg7[%dma_wait3A_336, %dma_wait3A_337] : memref<1280x32xf32, #tpu.memory_space<vmem>> -> memref<128x32xf32, #tpu.memory_space<vmem>>
        %dma_wait3A_339 = arith.constant 0 : i32
        %dma_wait3A_340 = arith.constant 0 : i32
        %dma_wait3A_341 = tpu.memref_slice %arg3[%dma_wait3A_339, %dma_wait3A_340] : memref<100000x32xf32, #tpu.memory_space<hbm>> -> memref<128x32xf32, #tpu.memory_space<hbm>>
        tpu.wait_dma2 semaphore(%arg8 : memref<!tpu.dma_semaphore, #tpu.memory_space<semaphore_mem>>) src(%dma_wait3A_341 : memref<128x32xf32, #tpu.memory_space<hbm>>) dst(%dma_wait3A_338 : memref<128x32xf32, #tpu.memory_space<vmem>>)
        %dma_wait3A_342 = arith.constant 1024 : i32
        %dma_wait3A_343 = arith.constant 0 : i32
        %dma_wait3A_344 = tpu.memref_slice %arg7[%dma_wait3A_342, %dma_wait3A_343] : memref<1280x32xf32, #tpu.memory_space<vmem>> -> memref<128x32xf32, #tpu.memory_space<vmem>>
        %dma_wait3A_345 = arith.constant 0 : i32
        %dma_wait3A_346 = arith.constant 0 : i32
        %dma_wait3A_347 = tpu.memref_slice %arg3[%dma_wait3A_345, %dma_wait3A_346] : memref<100000x32xf32, #tpu.memory_space<hbm>> -> memref<128x32xf32, #tpu.memory_space<hbm>>
        %dma_wait3A_348 = arith.constant 1024 : i32
        %dma_wait3A_349 = arith.constant 0 : i32
        %dma_wait3A_350 = tpu.memref_slice %arg7[%dma_wait3A_348, %dma_wait3A_349] : memref<1280x32xf32, #tpu.memory_space<vmem>> -> memref<128x32xf32, #tpu.memory_space<vmem>>
        %dma_wait3A_351 = arith.constant 0 : i32
        %dma_wait3A_352 = arith.constant 0 : i32
        %dma_wait3A_353 = tpu.memref_slice %arg3[%dma_wait3A_351, %dma_wait3A_352] : memref<100000x32xf32, #tpu.memory_space<hbm>> -> memref<128x32xf32, #tpu.memory_space<hbm>>
        tpu.wait_dma2 semaphore(%arg8 : memref<!tpu.dma_semaphore, #tpu.memory_space<semaphore_mem>>) src(%dma_wait3A_353 : memref<128x32xf32, #tpu.memory_space<hbm>>) dst(%dma_wait3A_350 : memref<128x32xf32, #tpu.memory_space<vmem>>)
        %dma_wait3A_354 = arith.constant 1152 : i32
        %dma_wait3A_355 = arith.constant 0 : i32
        %dma_wait3A_356 = tpu.memref_slice %arg7[%dma_wait3A_354, %dma_wait3A_355] : memref<1280x32xf32, #tpu.memory_space<vmem>> -> memref<128x32xf32, #tpu.memory_space<vmem>>
        %dma_wait3A_357 = arith.constant 0 : i32
        %dma_wait3A_358 = arith.constant 0 : i32
        %dma_wait3A_359 = tpu.memref_slice %arg3[%dma_wait3A_357, %dma_wait3A_358] : memref<100000x32xf32, #tpu.memory_space<hbm>> -> memref<128x32xf32, #tpu.memory_space<hbm>>
        %dma_wait3A_360 = arith.constant 1152 : i32
        %dma_wait3A_361 = arith.constant 0 : i32
        %dma_wait3A_362 = tpu.memref_slice %arg7[%dma_wait3A_360, %dma_wait3A_361] : memref<1280x32xf32, #tpu.memory_space<vmem>> -> memref<128x32xf32, #tpu.memory_space<vmem>>
        %dma_wait3A_363 = arith.constant 0 : i32
        %dma_wait3A_364 = arith.constant 0 : i32
        %dma_wait3A_365 = tpu.memref_slice %arg3[%dma_wait3A_363, %dma_wait3A_364] : memref<100000x32xf32, #tpu.memory_space<hbm>> -> memref<128x32xf32, #tpu.memory_space<hbm>>
        tpu.wait_dma2 semaphore(%arg8 : memref<!tpu.dma_semaphore, #tpu.memory_space<semaphore_mem>>) src(%dma_wait3A_365 : memref<128x32xf32, #tpu.memory_space<hbm>>) dst(%dma_wait3A_362 : memref<128x32xf32, #tpu.memory_space<vmem>>)
        %add3A_366 = arith.constant 2 : i32
        %add3A_367 = arith.addi %add3A_112, %add3A_366 : i32
        %lt3A_368 = arith.constant 20 : i32
        %lt3A_369 = arith.cmpi slt, %add3A_367, %lt3A_368 : i32
        %convert_element_type3A_370 = arith.extui %lt3A_369 : i1 to i32
        %cond3A_371 = arith.constant 0 : i32
        %cond3A_372 = arith.cmpi ne, %convert_element_type3A_370, %cond3A_371 : i32
        scf.if %cond3A_372 {
          %add3A_378 = arith.constant 2 : i32
          %add3A_379 = arith.addi %add3A_112, %add3A_378 : i32
          %mul3A_380 = arith.constant 10 : i32
          %mul3A_381 = arith.muli %add3A_379, %mul3A_380 : i32
          %add3A_382 = arith.constant 0 : i32
          %add3A_383 = arith.addi %mul3A_381, %add3A_382 : i32
          %dma_start3A_384 = arith.constant 0 : i32
          %dma_start3A_385 = arith.constant 0 : i32
          %dma_start3A_386 = tpu.memref_slice %arg6[%dma_start3A_384, %dma_start3A_385] : memref<1280x32xf32, #tpu.memory_space<vmem>> -> memref<128x32xf32, #tpu.memory_space<vmem>>
          %dma_start3A_387 = arith.constant 0 : i32
          %dma_start3A_388 = tpu.memref_slice %arg5[%add3A_383, %dma_start3A_387] : memref<200x128xi32, #tpu.memory_space<vmem>> -> memref<1x128xi32, #tpu.memory_space<vmem>>
          %dma_start3A_389 = tpu.memref_squeeze %dma_start3A_388 : memref<1x128xi32, #tpu.memory_space<vmem>> -> memref<128xi32, #tpu.memory_space<vmem>>
          %dma_start3A_390 = arith.constant 0 : i32
          %dma_start3A_391 = arith.constant 0 : i32
          %dma_start3A_392 = tpu.memref_slice %arg3[%dma_start3A_390, %dma_start3A_391] : memref<100000x32xf32, #tpu.memory_space<hbm>> -> memref<100000x32xf32, #tpu.memory_space<hbm>>
          tpu.enqueue_indirect_dma source(%dma_start3A_392 : memref<100000x32xf32, #tpu.memory_space<hbm>>) target(%dma_start3A_386 : memref<128x32xf32, #tpu.memory_space<vmem>>) offsets(%dma_start3A_389 : memref<128xi32, #tpu.memory_space<vmem>>) semaphore(%arg8 : memref<!tpu.dma_semaphore, #tpu.memory_space<semaphore_mem>>)
          %mul3A_393 = arith.constant 10 : i32
          %mul3A_394 = arith.muli %add3A_379, %mul3A_393 : i32
          %add3A_395 = arith.constant 1 : i32
          %add3A_396 = arith.addi %mul3A_394, %add3A_395 : i32
          %dma_start3A_397 = arith.constant 128 : i32
          %dma_start3A_398 = arith.constant 0 : i32
          %dma_start3A_399 = tpu.memref_slice %arg6[%dma_start3A_397, %dma_start3A_398] : memref<1280x32xf32, #tpu.memory_space<vmem>> -> memref<128x32xf32, #tpu.memory_space<vmem>>
          %dma_start3A_400 = arith.constant 0 : i32
          %dma_start3A_401 = tpu.memref_slice %arg5[%add3A_396, %dma_start3A_400] : memref<200x128xi32, #tpu.memory_space<vmem>> -> memref<1x128xi32, #tpu.memory_space<vmem>>
          %dma_start3A_402 = tpu.memref_squeeze %dma_start3A_401 : memref<1x128xi32, #tpu.memory_space<vmem>> -> memref<128xi32, #tpu.memory_space<vmem>>
          %dma_start3A_403 = arith.constant 0 : i32
          %dma_start3A_404 = arith.constant 0 : i32
          %dma_start3A_405 = tpu.memref_slice %arg3[%dma_start3A_403, %dma_start3A_404] : memref<100000x32xf32, #tpu.memory_space<hbm>> -> memref<100000x32xf32, #tpu.memory_space<hbm>>
          tpu.enqueue_indirect_dma source(%dma_start3A_405 : memref<100000x32xf32, #tpu.memory_space<hbm>>) target(%dma_start3A_399 : memref<128x32xf32, #tpu.memory_space<vmem>>) offsets(%dma_start3A_402 : memref<128xi32, #tpu.memory_space<vmem>>) semaphore(%arg8 : memref<!tpu.dma_semaphore, #tpu.memory_space<semaphore_mem>>)
          %mul3A_406 = arith.constant 10 : i32
          %mul3A_407 = arith.muli %add3A_379, %mul3A_406 : i32
          %add3A_408 = arith.constant 2 : i32
          %add3A_409 = arith.addi %mul3A_407, %add3A_408 : i32
          %dma_start3A_410 = arith.constant 256 : i32
          %dma_start3A_411 = arith.constant 0 : i32
          %dma_start3A_412 = tpu.memref_slice %arg6[%dma_start3A_410, %dma_start3A_411] : memref<1280x32xf32, #tpu.memory_space<vmem>> -> memref<128x32xf32, #tpu.memory_space<vmem>>
          %dma_start3A_413 = arith.constant 0 : i32
          %dma_start3A_414 = tpu.memref_slice %arg5[%add3A_409, %dma_start3A_413] : memref<200x128xi32, #tpu.memory_space<vmem>> -> memref<1x128xi32, #tpu.memory_space<vmem>>
          %dma_start3A_415 = tpu.memref_squeeze %dma_start3A_414 : memref<1x128xi32, #tpu.memory_space<vmem>> -> memref<128xi32, #tpu.memory_space<vmem>>
          %dma_start3A_416 = arith.constant 0 : i32
          %dma_start3A_417 = arith.constant 0 : i32
          %dma_start3A_418 = tpu.memref_slice %arg3[%dma_start3A_416, %dma_start3A_417] : memref<100000x32xf32, #tpu.memory_space<hbm>> -> memref<100000x32xf32, #tpu.memory_space<hbm>>
          tpu.enqueue_indirect_dma source(%dma_start3A_418 : memref<100000x32xf32, #tpu.memory_space<hbm>>) target(%dma_start3A_412 : memref<128x32xf32, #tpu.memory_space<vmem>>) offsets(%dma_start3A_415 : memref<128xi32, #tpu.memory_space<vmem>>) semaphore(%arg8 : memref<!tpu.dma_semaphore, #tpu.memory_space<semaphore_mem>>)
          %mul3A_419 = arith.constant 10 : i32
          %mul3A_420 = arith.muli %add3A_379, %mul3A_419 : i32
          %add3A_421 = arith.constant 3 : i32
          %add3A_422 = arith.addi %mul3A_420, %add3A_421 : i32
          %dma_start3A_423 = arith.constant 384 : i32
          %dma_start3A_424 = arith.constant 0 : i32
          %dma_start3A_425 = tpu.memref_slice %arg6[%dma_start3A_423, %dma_start3A_424] : memref<1280x32xf32, #tpu.memory_space<vmem>> -> memref<128x32xf32, #tpu.memory_space<vmem>>
          %dma_start3A_426 = arith.constant 0 : i32
          %dma_start3A_427 = tpu.memref_slice %arg5[%add3A_422, %dma_start3A_426] : memref<200x128xi32, #tpu.memory_space<vmem>> -> memref<1x128xi32, #tpu.memory_space<vmem>>
          %dma_start3A_428 = tpu.memref_squeeze %dma_start3A_427 : memref<1x128xi32, #tpu.memory_space<vmem>> -> memref<128xi32, #tpu.memory_space<vmem>>
          %dma_start3A_429 = arith.constant 0 : i32
          %dma_start3A_430 = arith.constant 0 : i32
          %dma_start3A_431 = tpu.memref_slice %arg3[%dma_start3A_429, %dma_start3A_430] : memref<100000x32xf32, #tpu.memory_space<hbm>> -> memref<100000x32xf32, #tpu.memory_space<hbm>>
          tpu.enqueue_indirect_dma source(%dma_start3A_431 : memref<100000x32xf32, #tpu.memory_space<hbm>>) target(%dma_start3A_425 : memref<128x32xf32, #tpu.memory_space<vmem>>) offsets(%dma_start3A_428 : memref<128xi32, #tpu.memory_space<vmem>>) semaphore(%arg8 : memref<!tpu.dma_semaphore, #tpu.memory_space<semaphore_mem>>)
          %mul3A_432 = arith.constant 10 : i32
          %mul3A_433 = arith.muli %add3A_379, %mul3A_432 : i32
          %add3A_434 = arith.constant 4 : i32
          %add3A_435 = arith.addi %mul3A_433, %add3A_434 : i32
          %dma_start3A_436 = arith.constant 512 : i32
          %dma_start3A_437 = arith.constant 0 : i32
          %dma_start3A_438 = tpu.memref_slice %arg6[%dma_start3A_436, %dma_start3A_437] : memref<1280x32xf32, #tpu.memory_space<vmem>> -> memref<128x32xf32, #tpu.memory_space<vmem>>
          %dma_start3A_439 = arith.constant 0 : i32
          %dma_start3A_440 = tpu.memref_slice %arg5[%add3A_435, %dma_start3A_439] : memref<200x128xi32, #tpu.memory_space<vmem>> -> memref<1x128xi32, #tpu.memory_space<vmem>>
          %dma_start3A_441 = tpu.memref_squeeze %dma_start3A_440 : memref<1x128xi32, #tpu.memory_space<vmem>> -> memref<128xi32, #tpu.memory_space<vmem>>
          %dma_start3A_442 = arith.constant 0 : i32
          %dma_start3A_443 = arith.constant 0 : i32
          %dma_start3A_444 = tpu.memref_slice %arg3[%dma_start3A_442, %dma_start3A_443] : memref<100000x32xf32, #tpu.memory_space<hbm>> -> memref<100000x32xf32, #tpu.memory_space<hbm>>
          tpu.enqueue_indirect_dma source(%dma_start3A_444 : memref<100000x32xf32, #tpu.memory_space<hbm>>) target(%dma_start3A_438 : memref<128x32xf32, #tpu.memory_space<vmem>>) offsets(%dma_start3A_441 : memref<128xi32, #tpu.memory_space<vmem>>) semaphore(%arg8 : memref<!tpu.dma_semaphore, #tpu.memory_space<semaphore_mem>>)
          %mul3A_445 = arith.constant 10 : i32
          %mul3A_446 = arith.muli %add3A_379, %mul3A_445 : i32
          %add3A_447 = arith.constant 5 : i32
          %add3A_448 = arith.addi %mul3A_446, %add3A_447 : i32
          %dma_start3A_449 = arith.constant 640 : i32
          %dma_start3A_450 = arith.constant 0 : i32
          %dma_start3A_451 = tpu.memref_slice %arg6[%dma_start3A_449, %dma_start3A_450] : memref<1280x32xf32, #tpu.memory_space<vmem>> -> memref<128x32xf32, #tpu.memory_space<vmem>>
          %dma_start3A_452 = arith.constant 0 : i32
          %dma_start3A_453 = tpu.memref_slice %arg5[%add3A_448, %dma_start3A_452] : memref<200x128xi32, #tpu.memory_space<vmem>> -> memref<1x128xi32, #tpu.memory_space<vmem>>
          %dma_start3A_454 = tpu.memref_squeeze %dma_start3A_453 : memref<1x128xi32, #tpu.memory_space<vmem>> -> memref<128xi32, #tpu.memory_space<vmem>>
          %dma_start3A_455 = arith.constant 0 : i32
          %dma_start3A_456 = arith.constant 0 : i32
          %dma_start3A_457 = tpu.memref_slice %arg3[%dma_start3A_455, %dma_start3A_456] : memref<100000x32xf32, #tpu.memory_space<hbm>> -> memref<100000x32xf32, #tpu.memory_space<hbm>>
          tpu.enqueue_indirect_dma source(%dma_start3A_457 : memref<100000x32xf32, #tpu.memory_space<hbm>>) target(%dma_start3A_451 : memref<128x32xf32, #tpu.memory_space<vmem>>) offsets(%dma_start3A_454 : memref<128xi32, #tpu.memory_space<vmem>>) semaphore(%arg8 : memref<!tpu.dma_semaphore, #tpu.memory_space<semaphore_mem>>)
          %mul3A_458 = arith.constant 10 : i32
          %mul3A_459 = arith.muli %add3A_379, %mul3A_458 : i32
          %add3A_460 = arith.constant 6 : i32
          %add3A_461 = arith.addi %mul3A_459, %add3A_460 : i32
          %dma_start3A_462 = arith.constant 768 : i32
          %dma_start3A_463 = arith.constant 0 : i32
          %dma_start3A_464 = tpu.memref_slice %arg6[%dma_start3A_462, %dma_start3A_463] : memref<1280x32xf32, #tpu.memory_space<vmem>> -> memref<128x32xf32, #tpu.memory_space<vmem>>
          %dma_start3A_465 = arith.constant 0 : i32
          %dma_start3A_466 = tpu.memref_slice %arg5[%add3A_461, %dma_start3A_465] : memref<200x128xi32, #tpu.memory_space<vmem>> -> memref<1x128xi32, #tpu.memory_space<vmem>>
          %dma_start3A_467 = tpu.memref_squeeze %dma_start3A_466 : memref<1x128xi32, #tpu.memory_space<vmem>> -> memref<128xi32, #tpu.memory_space<vmem>>
          %dma_start3A_468 = arith.constant 0 : i32
          %dma_start3A_469 = arith.constant 0 : i32
          %dma_start3A_470 = tpu.memref_slice %arg3[%dma_start3A_468, %dma_start3A_469] : memref<100000x32xf32, #tpu.memory_space<hbm>> -> memref<100000x32xf32, #tpu.memory_space<hbm>>
          tpu.enqueue_indirect_dma source(%dma_start3A_470 : memref<100000x32xf32, #tpu.memory_space<hbm>>) target(%dma_start3A_464 : memref<128x32xf32, #tpu.memory_space<vmem>>) offsets(%dma_start3A_467 : memref<128xi32, #tpu.memory_space<vmem>>) semaphore(%arg8 : memref<!tpu.dma_semaphore, #tpu.memory_space<semaphore_mem>>)
          %mul3A_471 = arith.constant 10 : i32
          %mul3A_472 = arith.muli %add3A_379, %mul3A_471 : i32
          %add3A_473 = arith.constant 7 : i32
          %add3A_474 = arith.addi %mul3A_472, %add3A_473 : i32
          %dma_start3A_475 = arith.constant 896 : i32
          %dma_start3A_476 = arith.constant 0 : i32
          %dma_start3A_477 = tpu.memref_slice %arg6[%dma_start3A_475, %dma_start3A_476] : memref<1280x32xf32, #tpu.memory_space<vmem>> -> memref<128x32xf32, #tpu.memory_space<vmem>>
          %dma_start3A_478 = arith.constant 0 : i32
          %dma_start3A_479 = tpu.memref_slice %arg5[%add3A_474, %dma_start3A_478] : memref<200x128xi32, #tpu.memory_space<vmem>> -> memref<1x128xi32, #tpu.memory_space<vmem>>
          %dma_start3A_480 = tpu.memref_squeeze %dma_start3A_479 : memref<1x128xi32, #tpu.memory_space<vmem>> -> memref<128xi32, #tpu.memory_space<vmem>>
          %dma_start3A_481 = arith.constant 0 : i32
          %dma_start3A_482 = arith.constant 0 : i32
          %dma_start3A_483 = tpu.memref_slice %arg3[%dma_start3A_481, %dma_start3A_482] : memref<100000x32xf32, #tpu.memory_space<hbm>> -> memref<100000x32xf32, #tpu.memory_space<hbm>>
          tpu.enqueue_indirect_dma source(%dma_start3A_483 : memref<100000x32xf32, #tpu.memory_space<hbm>>) target(%dma_start3A_477 : memref<128x32xf32, #tpu.memory_space<vmem>>) offsets(%dma_start3A_480 : memref<128xi32, #tpu.memory_space<vmem>>) semaphore(%arg8 : memref<!tpu.dma_semaphore, #tpu.memory_space<semaphore_mem>>)
          %mul3A_484 = arith.constant 10 : i32
          %mul3A_485 = arith.muli %add3A_379, %mul3A_484 : i32
          %add3A_486 = arith.constant 8 : i32
          %add3A_487 = arith.addi %mul3A_485, %add3A_486 : i32
          %dma_start3A_488 = arith.constant 1024 : i32
          %dma_start3A_489 = arith.constant 0 : i32
          %dma_start3A_490 = tpu.memref_slice %arg6[%dma_start3A_488, %dma_start3A_489] : memref<1280x32xf32, #tpu.memory_space<vmem>> -> memref<128x32xf32, #tpu.memory_space<vmem>>
          %dma_start3A_491 = arith.constant 0 : i32
          %dma_start3A_492 = tpu.memref_slice %arg5[%add3A_487, %dma_start3A_491] : memref<200x128xi32, #tpu.memory_space<vmem>> -> memref<1x128xi32, #tpu.memory_space<vmem>>
          %dma_start3A_493 = tpu.memref_squeeze %dma_start3A_492 : memref<1x128xi32, #tpu.memory_space<vmem>> -> memref<128xi32, #tpu.memory_space<vmem>>
          %dma_start3A_494 = arith.constant 0 : i32
          %dma_start3A_495 = arith.constant 0 : i32
          %dma_start3A_496 = tpu.memref_slice %arg3[%dma_start3A_494, %dma_start3A_495] : memref<100000x32xf32, #tpu.memory_space<hbm>> -> memref<100000x32xf32, #tpu.memory_space<hbm>>
          tpu.enqueue_indirect_dma source(%dma_start3A_496 : memref<100000x32xf32, #tpu.memory_space<hbm>>) target(%dma_start3A_490 : memref<128x32xf32, #tpu.memory_space<vmem>>) offsets(%dma_start3A_493 : memref<128xi32, #tpu.memory_space<vmem>>) semaphore(%arg8 : memref<!tpu.dma_semaphore, #tpu.memory_space<semaphore_mem>>)
          %mul3A_497 = arith.constant 10 : i32
          %mul3A_498 = arith.muli %add3A_379, %mul3A_497 : i32
          %add3A_499 = arith.constant 9 : i32
          %add3A_500 = arith.addi %mul3A_498, %add3A_499 : i32
          %dma_start3A_501 = arith.constant 1152 : i32
          %dma_start3A_502 = arith.constant 0 : i32
          %dma_start3A_503 = tpu.memref_slice %arg6[%dma_start3A_501, %dma_start3A_502] : memref<1280x32xf32, #tpu.memory_space<vmem>> -> memref<128x32xf32, #tpu.memory_space<vmem>>
          %dma_start3A_504 = arith.constant 0 : i32
          %dma_start3A_505 = tpu.memref_slice %arg5[%add3A_500, %dma_start3A_504] : memref<200x128xi32, #tpu.memory_space<vmem>> -> memref<1x128xi32, #tpu.memory_space<vmem>>
          %dma_start3A_506 = tpu.memref_squeeze %dma_start3A_505 : memref<1x128xi32, #tpu.memory_space<vmem>> -> memref<128xi32, #tpu.memory_space<vmem>>
          %dma_start3A_507 = arith.constant 0 : i32
          %dma_start3A_508 = arith.constant 0 : i32
          %dma_start3A_509 = tpu.memref_slice %arg3[%dma_start3A_507, %dma_start3A_508] : memref<100000x32xf32, #tpu.memory_space<hbm>> -> memref<100000x32xf32, #tpu.memory_space<hbm>>
          tpu.enqueue_indirect_dma source(%dma_start3A_509 : memref<100000x32xf32, #tpu.memory_space<hbm>>) target(%dma_start3A_503 : memref<128x32xf32, #tpu.memory_space<vmem>>) offsets(%dma_start3A_506 : memref<128xi32, #tpu.memory_space<vmem>>) semaphore(%arg8 : memref<!tpu.dma_semaphore, #tpu.memory_space<semaphore_mem>>)
        } else {
        }
        %add3A_373 = arith.constant 1 : i32
        %add3A_374 = arith.addi %add3A_112, %add3A_373 : i32
        %mul3A_375 = arith.constant 1280 : i32
        %mul3A_376 = arith.muli %add3A_374, %mul3A_375 : i32
        %add3A_377 = arith.addi %mul3A_4, %mul3A_376 : i32
        "tpu.region"() ({
          %run_scoped3A = tpu.sem_alloc : memref<!tpu.dma_semaphore, #tpu.memory_space<semaphore_mem>>
          %dma_start3A_378 = arith.constant 0 : i32
          %dma_start3A_379 = tpu.memref_slice %arg4[%add3A_377, %dma_start3A_378] : memref<819200x32xf32, #tpu.memory_space<hbm>> -> memref<1280x32xf32, #tpu.memory_space<hbm>>
          %dma_start3A_380 = arith.constant 0 : i32
          %dma_start3A_381 = tpu.memref_slice %arg4[%add3A_377, %dma_start3A_380] : memref<819200x32xf32, #tpu.memory_space<hbm>> -> memref<1280x32xf32, #tpu.memory_space<hbm>>
          tpu.enqueue_dma source(%arg7 : memref<1280x32xf32, #tpu.memory_space<vmem>>) target(%dma_start3A_381 : memref<1280x32xf32, #tpu.memory_space<hbm>>) target_semaphore(%run_scoped3A : memref<!tpu.dma_semaphore, #tpu.memory_space<semaphore_mem>>)
          %dma_wait3A_382 = arith.constant 0 : i32
          %dma_wait3A_383 = tpu.memref_slice %arg4[%add3A_377, %dma_wait3A_382] : memref<819200x32xf32, #tpu.memory_space<hbm>> -> memref<1280x32xf32, #tpu.memory_space<hbm>>
          %dma_wait3A_384 = arith.constant 0 : i32
          %dma_wait3A_385 = tpu.memref_slice %arg4[%add3A_377, %dma_wait3A_384] : memref<819200x32xf32, #tpu.memory_space<hbm>> -> memref<1280x32xf32, #tpu.memory_space<hbm>>
          tpu.wait_dma2 semaphore(%run_scoped3A : memref<!tpu.dma_semaphore, #tpu.memory_space<semaphore_mem>>) src(%arg7 : memref<1280x32xf32, #tpu.memory_space<vmem>>) dst(%dma_wait3A_385 : memref<1280x32xf32, #tpu.memory_space<hbm>>)
          tpu.yield
        }) : () -> ()
      } else {
      }
    }
    %scan3A_107 = arith.constant 10 : i32
    return
  }
}

module attributes {stable_mosaic.version = 14 : i64} {
  func.func @body(%arg0: i32, %arg1: memref<16384x1600xf32, #tpu.memory_space<any>>, %arg2: memref<50x4x1x8x128xf32, #tpu.memory_space<vmem>>, %arg3: memref<2x128x1600xf32, #tpu.memory_space<vmem>>, %arg4: memref<2x!tpu.dma_semaphore, #tpu.memory_space<semaphore_mem>>) attributes {dimension_semantics = [#tpu.dimension_semantics<arbitrary>], iteration_bounds = array<i64: 128>, scalar_prefetch = 0 : i64, scratch_operands = 2 : i64, tpu.core_type = #tpu.core_type<tc>, window_params = [{}, {transform_indices = @transform_1, window_bounds = array<i64: 50, 4, 1, 8, 128>}]} {
    %rem3A = arith.constant 2 : i32
    %rem3A_0 = arith.remsi %arg0, %rem3A : i32
    %eq3A = arith.constant 0 : i32
    %eq3A_1 = arith.cmpi eq, %arg0, %eq3A : i32
    %convert_element_type3A = arith.extui %eq3A_1 : i1 to i32
    %cond3A = arith.constant 0 : i32
    %cond3A_2 = arith.cmpi ne, %convert_element_type3A, %cond3A : i32
    scf.if %cond3A_2 {
      %dma_start3A = arith.constant 0 : i32
      %dma_start3A_25 = arith.constant 0 : i32
      %dma_start3A_26 = tpu.memref_slice %arg4[%dma_start3A_25] : memref<2x!tpu.dma_semaphore, #tpu.memory_space<semaphore_mem>> -> memref<1x!tpu.dma_semaphore, #tpu.memory_space<semaphore_mem>>
      %dma_start3A_27 = tpu.memref_squeeze %dma_start3A_26 : memref<1x!tpu.dma_semaphore, #tpu.memory_space<semaphore_mem>> -> memref<!tpu.dma_semaphore, #tpu.memory_space<semaphore_mem>>
      %dma_start3A_28 = arith.constant 0 : i32
      %dma_start3A_29 = arith.constant 0 : i32
      %dma_start3A_30 = tpu.memref_slice %arg3[%dma_start3A, %dma_start3A_28, %dma_start3A_29] : memref<2x128x1600xf32, #tpu.memory_space<vmem>> -> memref<1x128x1600xf32, #tpu.memory_space<vmem>>
      %dma_start3A_31 = tpu.memref_squeeze %dma_start3A_30 : memref<1x128x1600xf32, #tpu.memory_space<vmem>> -> memref<128x1600xf32, #tpu.memory_space<vmem>>
      %dma_start3A_32 = arith.constant 0 : i32
      %dma_start3A_33 = arith.constant 0 : i32
      %dma_start3A_34 = tpu.memref_slice %arg1[%dma_start3A_32, %dma_start3A_33] : memref<16384x1600xf32, #tpu.memory_space<any>> -> memref<128x1600xf32, #tpu.memory_space<any>>
      tpu.enqueue_dma source(%dma_start3A_34 : memref<128x1600xf32, #tpu.memory_space<any>>) target(%dma_start3A_31 : memref<128x1600xf32, #tpu.memory_space<vmem>>) target_semaphore(%dma_start3A_27 : memref<!tpu.dma_semaphore, #tpu.memory_space<semaphore_mem>>)
    } else {
    }
    %add3A = arith.constant 1 : i32
    %add3A_3 = arith.addi %arg0, %add3A : i32
    %lt3A = arith.constant 128 : i32
    %lt3A_4 = arith.cmpi slt, %add3A_3, %lt3A : i32
    %convert_element_type3A_5 = arith.extui %lt3A_4 : i1 to i32
    %cond3A_6 = arith.constant 0 : i32
    %cond3A_7 = arith.cmpi ne, %convert_element_type3A_5, %cond3A_6 : i32
    scf.if %cond3A_7 {
      %add3A_25 = arith.constant 1 : i32
      %add3A_26 = arith.addi %arg0, %add3A_25 : i32
      %mul3A_27 = arith.constant 128 : i32
      %mul3A_28 = arith.muli %add3A_26, %mul3A_27 : i32
      %sub3A = arith.constant 1 : i32
      %sub3A_29 = arith.subi %sub3A, %rem3A_0 : i32
      %sub3A_30 = arith.constant 1 : i32
      %sub3A_31 = arith.subi %sub3A_30, %rem3A_0 : i32
      %dma_start3A = tpu.memref_slice %arg4[%sub3A_31] : memref<2x!tpu.dma_semaphore, #tpu.memory_space<semaphore_mem>> -> memref<1x!tpu.dma_semaphore, #tpu.memory_space<semaphore_mem>>
      %dma_start3A_32 = tpu.memref_squeeze %dma_start3A : memref<1x!tpu.dma_semaphore, #tpu.memory_space<semaphore_mem>> -> memref<!tpu.dma_semaphore, #tpu.memory_space<semaphore_mem>>
      %dma_start3A_33 = arith.constant 0 : i32
      %dma_start3A_34 = arith.constant 0 : i32
      %dma_start3A_35 = tpu.memref_slice %arg3[%sub3A_29, %dma_start3A_33, %dma_start3A_34] : memref<2x128x1600xf32, #tpu.memory_space<vmem>> -> memref<1x128x1600xf32, #tpu.memory_space<vmem>>
      %dma_start3A_36 = tpu.memref_squeeze %dma_start3A_35 : memref<1x128x1600xf32, #tpu.memory_space<vmem>> -> memref<128x1600xf32, #tpu.memory_space<vmem>>
      %dma_start3A_37 = arith.constant 0 : i32
      %dma_start3A_38 = tpu.memref_slice %arg1[%mul3A_28, %dma_start3A_37] : memref<16384x1600xf32, #tpu.memory_space<any>> -> memref<128x1600xf32, #tpu.memory_space<any>>
      tpu.enqueue_dma source(%dma_start3A_38 : memref<128x1600xf32, #tpu.memory_space<any>>) target(%dma_start3A_36 : memref<128x1600xf32, #tpu.memory_space<vmem>>) target_semaphore(%dma_start3A_32 : memref<!tpu.dma_semaphore, #tpu.memory_space<semaphore_mem>>)
    } else {
    }
    %mul3A = arith.constant 128 : i32
    %mul3A_8 = arith.muli %arg0, %mul3A : i32
    %dma_wait3A = tpu.memref_slice %arg4[%rem3A_0] : memref<2x!tpu.dma_semaphore, #tpu.memory_space<semaphore_mem>> -> memref<1x!tpu.dma_semaphore, #tpu.memory_space<semaphore_mem>>
    %dma_wait3A_9 = tpu.memref_squeeze %dma_wait3A : memref<1x!tpu.dma_semaphore, #tpu.memory_space<semaphore_mem>> -> memref<!tpu.dma_semaphore, #tpu.memory_space<semaphore_mem>>
    %dma_wait3A_10 = arith.constant 0 : i32
    %dma_wait3A_11 = arith.constant 0 : i32
    %dma_wait3A_12 = tpu.memref_slice %arg3[%rem3A_0, %dma_wait3A_10, %dma_wait3A_11] : memref<2x128x1600xf32, #tpu.memory_space<vmem>> -> memref<1x128x1600xf32, #tpu.memory_space<vmem>>
    %dma_wait3A_13 = tpu.memref_squeeze %dma_wait3A_12 : memref<1x128x1600xf32, #tpu.memory_space<vmem>> -> memref<128x1600xf32, #tpu.memory_space<vmem>>
    %dma_wait3A_14 = arith.constant 0 : i32
    %dma_wait3A_15 = tpu.memref_slice %arg1[%mul3A_8, %dma_wait3A_14] : memref<16384x1600xf32, #tpu.memory_space<any>> -> memref<128x1600xf32, #tpu.memory_space<any>>
    tpu.wait_dma2 semaphore(%dma_wait3A_9 : memref<!tpu.dma_semaphore, #tpu.memory_space<semaphore_mem>>) src(%dma_wait3A_15 : memref<128x1600xf32, #tpu.memory_space<any>>) dst(%dma_wait3A_13 : memref<128x1600xf32, #tpu.memory_space<vmem>>)
    %get3A = arith.index_cast %rem3A_0 : i32 to index
    %get3A_16 = arith.constant 0 : index
    %get3A_17 = arith.constant 0 : index
    %get3A_18 = vector.load %arg3[%get3A, %get3A_16, %get3A_17] : memref<2x128x1600xf32, #tpu.memory_space<vmem>>, vector<1x128x1600xf32>
    %get3A_19 = vector.shape_cast %get3A_18 : vector<1x128x1600xf32> to vector<128x1600xf32>
    %transpose3A = tpu.transpose %get3A_19, [1, 0] : vector<128x1600xf32> -> vector<1600x128xf32>
    %reshape3A = vector.shape_cast %transpose3A : vector<1600x128xf32> to vector<50x4x1x8x128xf32>
    %swap3A = arith.constant 0 : index
    %swap3A_20 = arith.constant 0 : index
    %swap3A_21 = arith.constant 0 : index
    %swap3A_22 = arith.constant 0 : index
    %swap3A_23 = arith.constant 0 : index
    %swap3A_24 = vector.load %arg2[%swap3A, %swap3A_20, %swap3A_21, %swap3A_22, %swap3A_23] : memref<50x4x1x8x128xf32, #tpu.memory_space<vmem>>, vector<50x4x1x8x128xf32>
    tpu.vector_store %arg2[%swap3A, %swap3A_20, %swap3A_21, %swap3A_22, %swap3A_23], %reshape3A {strides = array<i32>} : memref<50x4x1x8x128xf32, #tpu.memory_space<vmem>>, vector<50x4x1x8x128xf32>,
    return
  }
  func.func @transform_1(%arg0: i32) -> (i32, i32, i32, i32, i32) {
    %c0_i32 = arith.constant 0 : i32
    %c0_i32_0 = arith.constant 0 : i32
    %c0_i32_1 = arith.constant 0 : i32
    %c0_i32_2 = arith.constant 0 : i32
    %c0_i32_3 = arith.constant 0 : i32
    return %c0_i32, %c0_i32_0, %arg0, %c0_i32_1, %c0_i32_2 : i32, i32, i32, i32, i32
  }
}

</mosaic_0001>

<sc_bundles>
// kernel: kernel.4.cloned.1.call-start
scs
__scs_entry_jumppad:
0x0: {  	(pc) =	sbr.rel $0x88, $3  }
0x1: {  	(tag) =	ssettag $0x0;
	lr =	simm.s32 $0x1  }
0x2: {  	[smem:$0x3F9F] =	sst lr;
	_ =	strace $0xD0000000  }
0x3: {  	_ = 	snop  }
0x4: {  	_ = 	snop  }
0x5: {  	_ = 	snop  }
0x6: {  	_ = 	snop  }
0x7: {  	_ = 	snop  }
__scs_overlays_trampoline_lowered:
0x8: {  	[smem:$0x3FAE] =	sst s0  }
0x9: {  	[smem:$0x3FAF] =	sst s1  }
0xa: {  	[smem:$0x3FB0] =	sst s2  }
0xb: {  	[smem:$0x3FB1] =	sst s3  }
0xc: {  	[smem:$0x3FB2] =	sst s4  }
0xd: {  	[smem:$0x3FB3] =	sst s5  }
0xe: {  	[smem:$0x3FB4] =	sst s6  }
0xf: {  	[smem:$0x3FB5] =	sst s7  }
0x10: {  	[smem:$0x3FB6] =	sst s8  }
0x11: {  	[smem:$0x3FB7] =	sst s9;
	s0 =	simm.s32 @!p0 $0x0  }
0x12: {  	s1 =	sld [smem:$0x3F9D];
	s0 =	simm.s32 @p0 $0x1  }
0x13: {  	[smem:$0x3FB8] =	sst s0;
	s0 =	simm.s32 @!p1 $0x0  }
0x14: {  	s2 =	sld [smem:$0x3F9C];
	s0 =	simm.s32 @p1 $0x1  }
0x15: {  	[smem:$0x3FB9] =	sst s0;
	s0 =	simm.s32 @!p2 $0x0  }
0x16: {  	s3 =	sld [smem:$0x3FDB];
	s0 =	simm.s32 @p2 $0x1  }
0x17: {  	s4 =	simm.s32 $0x1BF5;
	[smem:$0x3FBB] =	sst s0  }
0x18: {  	s0 =	sld [smem:$0x3F9E];
	_ =	swait.ge [sflag:s4], $0x0  }
0x19: {  	s7 =	sld [smem:$0x3F9F]  }
0x1a: {  	s8 =	sadd.s32 $0xFFFFE003, lr  }
0x1b: {  	s9 =	sadd.s32 $0xFFFFFEF7, lr;
	s5 =	simm.s32 $0xFFFFFFFF;
	p2 =	slt.u32 s8, $0xFFFFF086  }
0x1c: {  	p1 =	slt.u32 s9, $0xF7A;
	s5 =	simm.s32 @!p2 $0x0  }
0x1d: {  	s5 =	simm.s32 @p1 $0x1;
	p0 =	seq.s32 s7, s2  }
0x1e: {  	s7 =	smul.u32 @!p0 $0xF7A, s2;
	p2 =	seq.s32 @!p0 s5, $0x0  }
0x1f: {  	s9 =	smul.u32 $0xF7A, s1;
	s8 =	simm.s32 @!p0 $0x1BF5;
	p2 =	por !p2, p0  }
0x20: {  	[sflag:s8] =	ssyncset.s32 @!p0 $0xFFFFF086;
	s6 =	sadd.s32 @!p0 s3, s7;
	s7 =	simm.s32 @!p0 $0x108  }
0x21: {  	s3 =	sadd.s32 s3, s9;
	s6 =	sadd.s32 @!p0 $0x88, s6;
	s7 =	simm.s32 @p2 $0x1082  }
0x22: {  	[simem:s7], [sflag:s8] =	dma.local @!p0 [hbm:s6], $0xF7A  }
0x23: {  	s9 =	sor.u32 $0xD0000000, s2;
	s6 =	simm.s32 $0x108;
	_ =	swait.ge @!p0 [sflag:s8], $0x0  }
0x24: {  	s3 =	sadd.s32 $0x88, s3;
	s6 =	simm.s32 @!p1 $0x1082;
	[sflag:s4] =	ssyncset.s32 $0xFFFFF086  }
0x25: {  	[simem:s6], [sflag:s4] =	dma.local [hbm:s3], $0xF7A  }
0x26: {  	[smem:$0x3F9F] =	sst s1;
	(tag) =	ssettag s2;
	_ =	strace s9  }
0x27: {  	s1 =	sld [smem:$0x3FAF]  }
0x28: {  	s2 =	sld [smem:$0x3FB0]  }
0x29: {  	s4 =	sld [smem:$0x3FB2]  }
0x2a: {  	p0 =	seq.s32 s5, $0x0;
	s5 =	sld [smem:$0x3FB3]  }
0x2b: {  	s6 =	sld [smem:$0x3FB4]  }
0x2c: {  	s7 =	sld [smem:$0x3FB5]  }
0x2d: {  	s3 =	simm.s32 $0x108;
	s8 =	sld [smem:$0x3FB6]  }
0x2e: {  	s3 =	simm.s32 @!p0 $0x1082;
	s9 =	sld [smem:$0x3FB7]  }
0x2f: {  	lr =	sadd.s32 s0, s3;
	s0 =	sld [smem:$0x3FAE]  }
0x30: {  	s3 =	sld [smem:$0x3FB1]  }
0x31: {  	[smem:$0x3FBA] =	sst s10  }
0x32: {  	s10 =	sld [smem:$0x3FB8];
	_ =	sdelay $0x3  }
0x33: {  	p0 =	seq.s32 s10, $0x1;
	s10 =	sld [smem:$0x3FBA];
	_ =	sdelay $0x3  }
0x34: {  	[smem:$0x3FBA] =	sst s10  }
0x35: {  	s10 =	sld [smem:$0x3FB9];
	_ =	sdelay $0x3  }
0x36: {  	p1 =	seq.s32 s10, $0x1;
	s10 =	sld [smem:$0x3FBA];
	_ =	sdelay $0x3  }
0x37: {  	[smem:$0x3FBA] =	sst s10  }
0x38: {  	s10 =	sld [smem:$0x3FBB]  }
0x39: {  	_ = 	snop;
	(pc) =	sbr.ind lr, $3  }
0x3a: {  	_ = 	snop  }
0x3b: {  	_ = 	snop  }
0x3c: {  	p2 =	seq.s32 s10, $0x1;
	s10 =	sld [smem:$0x3FBA]  }
0x3d: {  	_ =	shalt  }
0x3e: {  	_ =	shalt  }
0x3f: {  	_ =	shalt  }
0x40: {  	_ =	shalt  }
0x41: {  	_ =	shalt  }
0x42: {  	_ =	shalt  }
0x43: {  	_ =	shalt  }
0x44: {  	_ =	shalt  }
0x45: {  	_ =	shalt  }
0x46: {  	_ =	shalt  }
0x47: {  	_ =	shalt  }
0x48: {  	_ =	shalt  }
0x49: {  	_ =	shalt  }
0x4a: {  	_ =	shalt  }
0x4b: {  	_ =	shalt  }
0x4c: {  	_ =	shalt  }
0x4d: {  	_ =	shalt  }
0x4e: {  	_ =	shalt  }
0x4f: {  	_ =	shalt  }
0x50: {  	_ =	shalt  }
0x51: {  	_ =	shalt  }
0x52: {  	_ =	shalt  }
0x53: {  	_ =	shalt  }
0x54: {  	_ =	shalt  }
0x55: {  	_ =	shalt  }
0x56: {  	_ =	shalt  }
0x57: {  	_ =	shalt  }
0x58: {  	_ =	shalt  }
0x59: {  	_ =	shalt  }
0x5a: {  	_ =	shalt  }
0x5b: {  	_ =	shalt  }
0x5c: {  	_ =	shalt  }
0x5d: {  	_ =	shalt  }
0x5e: {  	_ =	shalt  }
0x5f: {  	_ =	shalt  }
0x60: {  	_ =	shalt  }
0x61: {  	_ =	shalt  }
0x62: {  	_ =	shalt  }
0x63: {  	_ =	shalt  }
0x64: {  	_ =	shalt  }
0x65: {  	_ =	shalt  }
0x66: {  	_ =	shalt  }
0x67: {  	_ =	shalt  }
0x68: {  	_ =	shalt  }
0x69: {  	_ =	shalt  }
0x6a: {  	_ =	shalt  }
0x6b: {  	_ =	shalt  }
0x6c: {  	_ =	shalt  }
0x6d: {  	_ =	shalt  }
0x6e: {  	_ =	shalt  }
0x6f: {  	_ =	shalt  }
0x70: {  	_ =	shalt  }
0x71: {  	_ =	shalt  }
0x72: {  	_ =	shalt  }
0x73: {  	_ =	shalt  }
0x74: {  	_ =	shalt  }
0x75: {  	_ =	shalt  }
0x76: {  	_ =	shalt  }
0x77: {  	_ =	shalt  }
0x78: {  	_ =	shalt  }
0x79: {  	_ =	shalt  }
0x7a: {  	_ =	shalt  }
0x7b: {  	_ =	shalt  }
0x7c: {  	_ =	shalt  }
0x7d: {  	_ =	shalt  }
0x7e: {  	_ =	shalt  }
0x7f: {  	_ =	shalt  }
0x80: {  	_ =	shalt  }
0x81: {  	_ =	shalt  }
0x82: {  	_ =	shalt  }
0x83: {  	_ =	shalt  }
0x84: {  	_ =	shalt  }
0x85: {  	_ =	shalt  }
0x86: {  	_ =	shalt  }
0x87: {  	_ =	shalt  }
.Lfunc_end0:
.L_simem_size_0:
called_computation_lowered:
.L_overlay_start_0:
0x88: {  	s2 =	sld [smem:$0x3FD9]  }
0x89: {  	s3 =	sld [smem:$0x3FFE];
	_ =	sdelay $0x1  }
0x8a: {  	s1 =	srdreg.scid  }
0x8b: {  	s0 =	sand.u32 $0x1, s1  }
0x8c: {  	s17 =	sshll.u32 s0, $0xA;
	s2 =	sadd.s32 s3, s2  }
0x8d: {  	s2 =	sadd.s32 s2, s17  }
0x8e: {  	[smem:$0x3FC6] =	sst s2  }
0x8f: {  	_ = 	snop  }
0x90: {  	s2 =	sld [smem:$0x3FD0];
	(tm) =	ssettm $0x1  }
0x91: {  	s18 =	sld [smem:$0x3FFB];
	_ =	sdelay $0x3  }
0x92: {  	_ =	strace s18  }
0x93: {  	s3 =	sld [smem:$0x3FFC];
	_ =	sdelay $0x3  }
0x94: {  	_ =	strace s3  }
0x95: {  	s3 =	sld [smem:$0x3FFD];
	_ =	sdelay $0x3  }
0x96: {  	_ =	strace s3  }
0x97: {  	_ =	strace $0x8FFFFFFF  }
0x98: {  	s19 =	sld [smem:$0x3FDB];
	_ =	sdelay $0x1  }
0x99: {  	s4 =	simm.s32 $_scs_section_size  }
0x9a: {  	s5 =	simm.s32 $_size__tile_overlayer_lowered;
	s6 =	simm.s32 $_tile_overlayer_lowered  }
0x9b: {  	s22 =	simm.s32 $0x1BFF;
	s21 =	sshll.u32 s6, $0x1;
	s3 =	sadd.s32 s4, s19  }
0x9c: {  	s7 =	simm.s32 $0x0;
	s20 =	sshll.u32 s5, $0x1;
	s5 =	sadd.s32 s21, s3  }
0x9d: {  	[timem:s7], [sflag:s22] =	dma.local [hbm:s5], s20  }
0x9e: {  	_ =	swait.ge [sflag:s22], s20  }
0x9f: {  	s4 =	ssub.s32 $0x0, s20;
	[sflag:s22] =	ssyncset.done $0x0  }
0xa0: {  	[sflag:s22] =	ssyncadd.s32 s4;
	_ =	sdelay $0x1  }
0xa1: {  	s23 =	simm.s32 $0x1B8B  }
0xa2: {  	_ =	swait.ge [sflag:s23], $0x1  }
0xa3: {  	[sflag:s23] =	ssyncset.done $0x0  }
0xa4: {  	s25 =	simm.s32 $0x1B8E;
	s24 =	sld [smem:$0x3FFE];
	[sflag:s23] =	ssyncadd.s32 $0xFFFFFFFF  }
0xa5: {  	s26 =	simm.s32 $execute0_lowered;
	[smem:$0x3FD2] =	sst s25  }
0xa6: {  	s5 =	sshll.u32 s26, $0x1;
	_ =	strace $0x80000046;
	[dreg:$0x1] =	wrdreg $0xFFFFFFFF  }
0xa7: {  	s28 =	simm.s32 $_size_execute0_lowered;
	s3 =	sadd.s32 s3, s5;
	[dreg:$0x0] =	wrdreg $0x0  }
0xa8: {  	s5 =	sshll.u32 s28, $0x1;
	[dreg:$0x2] =	wrdreg s3  }
0xa9: {  	[dreg:$0x3] =	wrdreg s5  }
0xaa: {  	[dreg:$0x4] =	wrdreg $0xC0  }
0xab: {  	_ =	task [dreg:s7], $0x5FFFF  }
0xac: {  	[dreg:$0x1] =	wrdreg $0xFFFFFFFF  }
0xad: {  	[dreg:$0x0] =	wrdreg $0x60  }
0xae: {  	[dreg:$0x2] =	wrdreg s24  }
0xaf: {  	[dreg:$0x3] =	wrdreg s2  }
0xb0: {  	[dreg:$0x4] =	wrdreg $0x9  }
0xb1: {  	_ =	task.clear_ibuf [dreg:s7], $0x5FFFF;
	_ =	strace $0x90000046  }
0xb2: {  	s29 =	simm.s32 $0x9;
	_ =	strace $0x80000048  }
0xb3: {  	_ =	swait.ge [sflag:s29], $0x1  }
0xb4: {  	[sflag:s29] =	ssyncadd.s32 $0xFFFFFFFF  }
0xb5: {  	_ =	strace $0x90000048  }
0xb6: {  	_ =	sfence  }
0xb7: {  	s30 =	sld [smem:$0x0];
	_ =	sdelay $0x2  }
0xb8: {  	s31 =	sshll.u32 s1, $0xD;
	s1 =	sshrl.u32 s1, $0x2  }
0xb9: {  	s3 =	sand.u32 $0x4000, s31;
	s1 =	sadd.s32 s1, s30  }
0xba: {  	s0 =	sor.u32 s3, s0;
	s1 =	sshll.u32 s1, $0x11  }
0xbb: {  	s0 =	sor.u32 s1, s0  }
0xbc: {  	s0 =	sadd.s32 $0x8F2B, s0  }
0xbd: {  	[sflag:s0] =	ssyncadd.remote.s32 $0x1  }
0xbe: {  	_ =	sfence.sel $0xFFFF  }
0xbf: {  	[dreg:$0x0] =	wrdreg $0xFFFFFFFF;
	(pc) =	sbr.abs _section_cstart, $3  }
0xc0: {  	[dreg:$0x1] =	wrdreg $0xFFFFFFFF  }
0xc1: {  	_ =	task.clear_ibuf [dreg:s7], $0x2FFFF;
	_ =	strace $0x9FFFFFFF  }
0xc2: {  	(tm) =	ssettm $0x7FFFFFFF  }
0xc3: {  	_ =	shalt  }
tec
execute0_lowered:
.L_overlay_start_1:
0x0: {  	(tag) =	ssettag $0x1  }
0x1: {  	s1 =	srdreg.scid;
	s3 =	rddreg [dreg:$0x0]  }
0x2: {  	s0 =	stileid.u32;
	s4 =	rddreg [dreg:$0x1];
	s16 =	simm.s32 $0x280  }
0x3: {  	s19 =	simm.s32 $0x11400;
	s20 =	simm.s32 $0x12400;
	s21 =	simm.s32 $0x13400  }
0x4: {  	s22 =	simm.s32 $0x14400;
	s23 =	simm.s32 $0x15400;
	s24 =	simm.s32 $0x16400  }
0x5: {  	s25 =	simm.s32 $0x17400;
	s26 =	simm.s32 $0x18400;
	s6 =	smul.u32 $0xC800, s0  }
0x6: {  	s31 =	simm.s32 $0x19400;
	s1 =	sand.u32 $0x1, s1;
	s8 =	smul.u32 $0x32000, s0  }
0x7: {  	s28 =	simm.s32 $0x10400;
	s2 =	sshll.u32 s0, $0x1;
	s7 =	smul.u32 $0x6400, s1  }
0x8: {  	s29 =	simm.s32 $0x3;
	s2 =	sor.u32 s1, s2;
	s9 =	smul.u32 $0x19000, s1  }
0x9: {  	s5 =	smul.u32 $0xC80, s2;
	s2 =	simm.s32 $0x0;
	s17 =	sadd.s32 s8, s4  }
0xa: {  	[smem:$0x7FF] =	sst s2;
	s6 =	sadd.s32 s7, s6;
	s7 =	sadd.s32 s9, s17  }
0xb: {  	s1 =	ssub.s32 $0x2, s1;
	_ =	strace $0x80000047;
	[dreg:$0x3] =	wrdreg s7  }
0xc: {  	s30 =	simm.s32 $0x0;
	s18 =	sshrl.u32 s1, $0x1;
	[dreg:$0x5] =	wrdreg s19  }
0xd: {  	s8 =	simm.s32 $0x6400;
	s1 =	ssub.s32 s1, s18;
	[dreg:$0x6] =	wrdreg s20  }
0xe: {  	s17 =	simm.s32 $0xB400;
	s18 =	simm.s32 $0x300;
	[dreg:$0x7] =	wrdreg s21  }
0xf: {  	s5 =	sadd.s32 s5, s3;
	s3 =	sadd.s32 $0x1A400, s3;
	[dreg:$0x8] =	wrdreg s22  }
0x10: {  	s6 =	sshll.u32 s6, $0x2;
	s7 =	simm.s32 $0x80;
	[dreg:$0x9] =	wrdreg s23  }
0x11: {  	s19 =	simm.s32 $0xC400;
	s20 =	simm.s32 $0x380;
	[dreg:$0xa] =	wrdreg s24  }
0x12: {  	s21 =	simm.s32 $0xD400;
	s22 =	simm.s32 $0x400;
	[dreg:$0xb] =	wrdreg s25  }
0x13: {  	s23 =	simm.s32 $0xE400;
	s24 =	simm.s32 $0x480;
	[dreg:$0xc] =	wrdreg s26  }
0x14: {  	[dreg:$0xd] =	wrdreg s31;
	s25 =	simm.s32 $0xF400;
	s4 =	sadd.s32 s4, s6  }
0x15: {  	s26 =	simm.s32 $0x1;
	s6 =	sadd.s32 $0x1400, s4;
	s4 =	sadd.s32 $0x1400, s5  }
0x16: {  	s5 =	smax.u32 s1, $0x1;
	[dreg:$0x4] =	wrdreg s6;
	s6 =	simm.s32 $0x2  }
.LBB2_1:
0x17: {  	[tilespmem:s2], [sflag:$0x2] =	stream.linear.gather [hbm4b:s4+s2], $0x6400, $0x38;
	[tilespmem:$0x1A400] =	vst v63  }
0x18: {  	_ =	swait.ge [sflag:s6], $0x6400  }
0x19: {  	[sflag:s6] =	ssyncset.done $0x0  }
0x1a: {  	[sflag:s6] =	ssyncadd.s32 $0xFFFF9C00  }
0x1b: {  	[tilespmem:s8], [sflag:$0x1] =	stream.indirect.gather [hbm4b:s3+s7], $0x20, s2, s7, $0xb8;
	[tilespmem:$0x1A400] =	vst v63  }
0x1c: {  	s0 =	simm.s32 $0x7400  }
0x1d: {  	[tilespmem:s0], [sflag:$0x1] =	stream.indirect.gather [hbm4b:s3+s7], $0x20, s7, s7, $0xb8;
	[tilespmem:$0x1A400] =	vst v63  }
0x1e: {  	s9 =	simm.s32 $0x100;
	s1 =	simm.s32 $0x8400  }
0x1f: {  	[tilespmem:s1], [sflag:$0x1] =	stream.indirect.gather [hbm4b:s3+s7], $0x20, s9, s7, $0xb8;
	[tilespmem:$0x1A400] =	vst v63  }
0x20: {  	s10 =	simm.s32 $0x180;
	s11 =	simm.s32 $0x9400  }
0x21: {  	[tilespmem:s11], [sflag:$0x1] =	stream.indirect.gather [hbm4b:s3+s7], $0x20, s10, s7, $0xb8;
	[tilespmem:$0x1A400] =	vst v63  }
0x22: {  	s12 =	simm.s32 $0x200;
	s13 =	simm.s32 $0xA400  }
0x23: {  	[tilespmem:s13], [sflag:$0x1] =	stream.indirect.gather [hbm4b:s3+s7], $0x20, s12, s7, $0xb8;
	[tilespmem:$0x1A400] =	vst v63  }
0x24: {  	_ = 	snop  }
0x25: {  	[tilespmem:s17], [sflag:$0x1] =	stream.indirect.gather [hbm4b:s3+s7], $0x20, s16, s7, $0xb8;
	[tilespmem:$0x1A400] =	vst v63  }
0x26: {  	_ = 	snop  }
0x27: {  	[tilespmem:s19], [sflag:$0x1] =	stream.indirect.gather [hbm4b:s3+s7], $0x20, s18, s7, $0xb8;
	[tilespmem:$0x1A400] =	vst v63  }
0x28: {  	_ = 	snop  }
0x29: {  	[tilespmem:s21], [sflag:$0x1] =	stream.indirect.gather [hbm4b:s3+s7], $0x20, s20, s7, $0xb8;
	[tilespmem:$0x1A400] =	vst v63  }
0x2a: {  	_ = 	snop  }
0x2b: {  	[tilespmem:s23], [sflag:$0x1] =	stream.indirect.gather [hbm4b:s3+s7], $0x20, s22, s7, $0xb8;
	[tilespmem:$0x1A400] =	vst v63  }
0x2c: {  	_ = 	snop  }
0x2d: {  	[tilespmem:s25], [sflag:$0x1] =	stream.indirect.gather [hbm4b:s3+s7], $0x20, s24, s7, $0xb8;
	[tilespmem:$0x1A400] =	vst v63  }
0x2e: {  	_ =	swait.ge [sflag:s26], $0x1000  }
0x2f: {  	[sflag:s26] =	ssyncset.done $0x0  }
0x30: {  	[sflag:s26] =	ssyncadd.s32 $0xFFFFF000  }
0x31: {  	_ =	swait.ge [sflag:s26], $0x1000  }
0x32: {  	[sflag:s26] =	ssyncset.done $0x0  }
0x33: {  	[sflag:s26] =	ssyncadd.s32 $0xFFFFF000  }
0x34: {  	_ =	swait.ge [sflag:s26], $0x1000  }
0x35: {  	[sflag:s26] =	ssyncset.done $0x0  }
0x36: {  	[sflag:s26] =	ssyncadd.s32 $0xFFFFF000  }
0x37: {  	_ =	swait.ge [sflag:s26], $0x1000  }
0x38: {  	[sflag:s26] =	ssyncset.done $0x0  }
0x39: {  	[sflag:s26] =	ssyncadd.s32 $0xFFFFF000  }
0x3a: {  	_ =	swait.ge [sflag:s26], $0x1000  }
0x3b: {  	[sflag:s26] =	ssyncset.done $0x0  }
0x3c: {  	[sflag:s26] =	ssyncadd.s32 $0xFFFFF000  }
0x3d: {  	_ =	swait.ge [sflag:s26], $0x1000  }
0x3e: {  	[sflag:s26] =	ssyncset.done $0x0  }
0x3f: {  	[sflag:s26] =	ssyncadd.s32 $0xFFFFF000  }
0x40: {  	_ =	swait.ge [sflag:s26], $0x1000  }
0x41: {  	[sflag:s26] =	ssyncset.done $0x0  }
0x42: {  	[sflag:s26] =	ssyncadd.s32 $0xFFFFF000  }
0x43: {  	_ =	swait.ge [sflag:s26], $0x1000  }
0x44: {  	[sflag:s26] =	ssyncset.done $0x0  }
0x45: {  	[sflag:s26] =	ssyncadd.s32 $0xFFFFF000  }
0x46: {  	_ =	swait.ge [sflag:s26], $0x1000  }
0x47: {  	[sflag:s26] =	ssyncset.done $0x0  }
0x48: {  	[sflag:s26] =	ssyncadd.s32 $0xFFFFF000  }
0x49: {  	_ =	swait.ge [sflag:s26], $0x1000  }
0x4a: {  	[sflag:s26] =	ssyncset.done $0x0  }
0x4b: {  	s31 =	simm.s32 $0x500;
	s1 =	rddreg [dreg:$0x3];
	[sflag:s26] =	ssyncadd.s32 $0xFFFFF000  }
0x4c: {  	[tilespmem:s28], [sflag:$0x1] =	stream.indirect.gather [hbm4b:s3+s7], $0x20, s31, s7, $0xb8;
	[tilespmem:$0x1A400] =	vst v63  }
0x4d: {  	s14 =	rddreg [dreg:$0x5];
	s31 =	simm.s32 $0x580  }
0x4e: {  	[tilespmem:s14], [sflag:$0x1] =	stream.indirect.gather [hbm4b:s3+s7], $0x20, s31, s7, $0xb8;
	[tilespmem:$0x1A400] =	vst v63  }
0x4f: {  	s15 =	simm.s32 $0x600;
	s9 =	rddreg [dreg:$0x6]  }
0x50: {  	[tilespmem:s9], [sflag:$0x1] =	stream.indirect.gather [hbm4b:s3+s7], $0x20, s15, s7, $0xb8;
	[tilespmem:$0x1A400] =	vst v63  }
0x51: {  	s10 =	simm.s32 $0x680;
	s31 =	rddreg [dreg:$0x7]  }
0x52: {  	[tilespmem:s31], [sflag:$0x1] =	stream.indirect.gather [hbm4b:s3+s7], $0x20, s10, s7, $0xb8;
	[tilespmem:$0x1A400] =	vst v63  }
0x53: {  	s12 =	simm.s32 $0x700;
	s11 =	rddreg [dreg:$0x8]  }
0x54: {  	[tilespmem:s11], [sflag:$0x1] =	stream.indirect.gather [hbm4b:s3+s7], $0x20, s12, s7, $0xb8;
	[tilespmem:$0x1A400] =	vst v63  }
0x55: {  	s13 =	simm.s32 $0x780;
	s31 =	rddreg [dreg:$0x9]  }
0x56: {  	[tilespmem:s31], [sflag:$0x1] =	stream.indirect.gather [hbm4b:s3+s7], $0x20, s13, s7, $0xb8;
	[tilespmem:$0x1A400] =	vst v63  }
0x57: {  	s14 =	rddreg [dreg:$0xa];
	s15 =	simm.s32 $0x800  }
0x58: {  	[tilespmem:s14], [sflag:$0x1] =	stream.indirect.gather [hbm4b:s3+s7], $0x20, s15, s7, $0xb8;
	[tilespmem:$0x1A400] =	vst v63  }
0x59: {  	s10 =	simm.s32 $0x880;
	s31 =	rddreg [dreg:$0xb]  }
0x5a: {  	[tilespmem:s31], [sflag:$0x1] =	stream.indirect.gather [hbm4b:s3+s7], $0x20, s10, s7, $0xb8;
	[tilespmem:$0x1A400] =	vst v63  }
0x5b: {  	s11 =	rddreg [dreg:$0xc];
	s12 =	simm.s32 $0x900  }
0x5c: {  	[tilespmem:s11], [sflag:$0x1] =	stream.indirect.gather [hbm4b:s3+s7], $0x20, s12, s7, $0xb8;
	[tilespmem:$0x1A400] =	vst v63  }
0x5d: {  	s13 =	simm.s32 $0x980;
	s31 =	rddreg [dreg:$0xd]  }
0x5e: {  	[tilespmem:s31], [sflag:$0x1] =	stream.indirect.gather [hbm4b:s3+s7], $0x20, s13, s7, $0xb8;
	[tilespmem:$0x1A400] =	vst v63  }
0x5f: {  	s14 =	sadd.s32 $0x0, s1  }
0x60: {  	[hbm4b:s14+s2] =	stream.linear.scatter [tilespmem:s8], [sflag:$0x3], $0xA000, $0x38;
	[tilespmem:$0x1A400] =	vst v63  }
0x61: {  	_ =	swait.ge [sflag:s29], $0xA000  }
0x62: {  	[sflag:s29] =	ssyncset.done $0x0  }
0x63: {  	[sflag:s29] =	ssyncadd.s32 $0xFFFF6000  }
0x64: {  	_ =	swait.ge [sflag:s26], $0x1000  }
0x65: {  	[sflag:s26] =	ssyncset.done $0x0  }
0x66: {  	[sflag:s26] =	ssyncadd.s32 $0xFFFFF000  }
0x67: {  	_ =	swait.ge [sflag:s26], $0x1000  }
0x68: {  	[sflag:s26] =	ssyncset.done $0x0  }
0x69: {  	[sflag:s26] =	ssyncadd.s32 $0xFFFFF000  }
0x6a: {  	_ =	swait.ge [sflag:s26], $0x1000  }
0x6b: {  	[sflag:s26] =	ssyncset.done $0x0  }
0x6c: {  	[sflag:s26] =	ssyncadd.s32 $0xFFFFF000  }
0x6d: {  	_ =	swait.ge [sflag:s26], $0x1000  }
0x6e: {  	[sflag:s26] =	ssyncset.done $0x0  }
0x6f: {  	[sflag:s26] =	ssyncadd.s32 $0xFFFFF000  }
0x70: {  	_ =	swait.ge [sflag:s26], $0x1000  }
0x71: {  	[sflag:s26] =	ssyncset.done $0x0  }
0x72: {  	[sflag:s26] =	ssyncadd.s32 $0xFFFFF000  }
0x73: {  	_ =	swait.ge [sflag:s26], $0x1000  }
0x74: {  	[sflag:s26] =	ssyncset.done $0x0  }
0x75: {  	[sflag:s26] =	ssyncadd.s32 $0xFFFFF000  }
0x76: {  	_ =	swait.ge [sflag:s26], $0x1000  }
0x77: {  	[sflag:s26] =	ssyncset.done $0x0  }
0x78: {  	[sflag:s26] =	ssyncadd.s32 $0xFFFFF000  }
0x79: {  	_ =	swait.ge [sflag:s26], $0x1000  }
0x7a: {  	[sflag:s26] =	ssyncset.done $0x0  }
0x7b: {  	[sflag:s26] =	ssyncadd.s32 $0xFFFFF000  }
0x7c: {  	_ =	swait.ge [sflag:s26], $0x1000  }
0x7d: {  	[sflag:s26] =	ssyncset.done $0x0  }
0x7e: {  	[sflag:s26] =	ssyncadd.s32 $0xFFFFF000  }
0x7f: {  	p0 =	por $0x0, $0x0;
	_ =	swait.ge [sflag:s26], $0x1000  }
0x80: {  	s0 =	simm.s32 @!p0 $0x6400;
	[sflag:s26] =	ssyncset.done $0x0  }
0x81: {  	s9 =	simm.s32 @!p0 $0x80;
	s1 =	simm.s32 @!p0 $0xA00;
	[sflag:s26] =	ssyncadd.s32 $0xFFFFF000  }
0x82: {  	[tilespmem:s0], [sflag:$0x1] =	stream.indirect.gather @!p0 [hbm4b:s3+s9], $0x20, s1, s9, $0xb8;
	[tilespmem:$0x1A400] =	vst v63  }
0x83: {  	s0 =	simm.s32 @!p0 $0xA80;
	s1 =	simm.s32 @!p0 $0x7400  }
0x84: {  	[tilespmem:s1], [sflag:$0x1] =	stream.indirect.gather @!p0 [hbm4b:s3+s9], $0x20, s0, s9, $0xb8;
	[tilespmem:$0x1A400] =	vst v63  }
0x85: {  	s0 =	simm.s32 @!p0 $0xB00;
	s1 =	simm.s32 @!p0 $0x8400  }
0x86: {  	[tilespmem:s1], [sflag:$0x1] =	stream.indirect.gather @!p0 [hbm4b:s3+s9], $0x20, s0, s9, $0xb8;
	[tilespmem:$0x1A400] =	vst v63  }
0x87: {  	s0 =	simm.s32 @!p0 $0xB80;
	s1 =	simm.s32 @!p0 $0x9400  }
0x88: {  	[tilespmem:s1], [sflag:$0x1] =	stream.indirect.gather @!p0 [hbm4b:s3+s9], $0x20, s0, s9, $0xb8;
	[tilespmem:$0x1A400] =	vst v63  }
0x89: {  	s0 =	simm.s32 @!p0 $0xC00;
	s1 =	simm.s32 @!p0 $0xA400  }
0x8a: {  	[tilespmem:s1], [sflag:$0x1] =	stream.indirect.gather @!p0 [hbm4b:s3+s9], $0x20, s0, s9, $0xb8;
	[tilespmem:$0x1A400] =	vst v63  }
0x8b: {  	s0 =	simm.s32 @!p0 $0xC80;
	s1 =	simm.s32 @!p0 $0xB400  }
0x8c: {  	[tilespmem:s1], [sflag:$0x1] =	stream.indirect.gather @!p0 [hbm4b:s3+s9], $0x20, s0, s9, $0xb8;
	[tilespmem:$0x1A400] =	vst v63  }
0x8d: {  	s0 =	simm.s32 @!p0 $0xD00;
	s1 =	simm.s32 @!p0 $0xC400  }
0x8e: {  	[tilespmem:s1], [sflag:$0x1] =	stream.indirect.gather @!p0 [hbm4b:s3+s9], $0x20, s0, s9, $0xb8;
	[tilespmem:$0x1A400] =	vst v63  }
0x8f: {  	s0 =	simm.s32 @!p0 $0xD80;
	s1 =	simm.s32 @!p0 $0xD400  }
0x90: {  	[tilespmem:s1], [sflag:$0x1] =	stream.indirect.gather @!p0 [hbm4b:s3+s9], $0x20, s0, s9, $0xb8;
	[tilespmem:$0x1A400] =	vst v63  }
0x91: {  	s0 =	simm.s32 @!p0 $0xE00;
	s1 =	simm.s32 @!p0 $0xE400  }
0x92: {  	[tilespmem:s1], [sflag:$0x1] =	stream.indirect.gather @!p0 [hbm4b:s3+s9], $0x20, s0, s9, $0xb8;
	[tilespmem:$0x1A400] =	vst v63  }
0x93: {  	s31 =	rddreg [dreg:$0x4];
	s0 =	simm.s32 @!p0 $0xE80;
	s1 =	simm.s32 @!p0 $0xF400  }
0x94: {  	[tilespmem:s1], [sflag:$0x1] =	stream.indirect.gather @!p0 [hbm4b:s3+s9], $0x20, s0, s9, $0xb8;
	[tilespmem:$0x1A400] =	vst v63  }
0x95: {  	s15 =	sadd.s32 $0x0, s31  }
0x96: {  	[hbm4b:s15+s2] =	stream.linear.scatter [tilespmem:s28], [sflag:$0x2], $0xA000, $0x38;
	[tilespmem:$0x1A400] =	vst v63  }
0x97: {  	_ =	swait.ge [sflag:s6], $0xA000  }
0x98: {  	s31 =	simm.s32 $0x2800;
	[sflag:s6] =	ssyncset.done $0x0  }
.LBB2_2:
0x99: {  	[sflag:s6] =	ssyncadd.s32 $0xFFFF6000  }
0x9a: {  	_ =	swait.ge [sflag:s26], $0x1000  }
0x9b: {  	[sflag:s26] =	ssyncset.done $0x0  }
0x9c: {  	[sflag:s26] =	ssyncadd.s32 $0xFFFFF000  }
0x9d: {  	_ =	swait.ge [sflag:s26], $0x1000  }
0x9e: {  	[sflag:s26] =	ssyncset.done $0x0  }
0x9f: {  	[sflag:s26] =	ssyncadd.s32 $0xFFFFF000  }
0xa0: {  	_ =	swait.ge [sflag:s26], $0x1000  }
0xa1: {  	[sflag:s26] =	ssyncset.done $0x0  }
0xa2: {  	[sflag:s26] =	ssyncadd.s32 $0xFFFFF000  }
0xa3: {  	_ =	swait.ge [sflag:s26], $0x1000  }
0xa4: {  	[sflag:s26] =	ssyncset.done $0x0  }
0xa5: {  	[sflag:s26] =	ssyncadd.s32 $0xFFFFF000  }
0xa6: {  	_ =	swait.ge [sflag:s26], $0x1000  }
0xa7: {  	[sflag:s26] =	ssyncset.done $0x0  }
0xa8: {  	[sflag:s26] =	ssyncadd.s32 $0xFFFFF000  }
0xa9: {  	_ =	swait.ge [sflag:s26], $0x1000  }
0xaa: {  	[sflag:s26] =	ssyncset.done $0x0  }
0xab: {  	[sflag:s26] =	ssyncadd.s32 $0xFFFFF000  }
0xac: {  	_ =	swait.ge [sflag:s26], $0x1000  }
0xad: {  	[sflag:s26] =	ssyncset.done $0x0  }
0xae: {  	[sflag:s26] =	ssyncadd.s32 $0xFFFFF000  }
0xaf: {  	_ =	swait.ge [sflag:s26], $0x1000  }
0xb0: {  	[sflag:s26] =	ssyncset.done $0x0  }
0xb1: {  	[sflag:s26] =	ssyncadd.s32 $0xFFFFF000  }
0xb2: {  	_ =	swait.ge [sflag:s26], $0x1000  }
0xb3: {  	[sflag:s26] =	ssyncset.done $0x0  }
0xb4: {  	[sflag:s26] =	ssyncadd.s32 $0xFFFFF000  }
0xb5: {  	s1 =	smov.u32 s31;
	_ =	swait.ge [sflag:s26], $0x1000  }
0xb6: {  	s0 =	sshra.s32 s1, $0x2;
	[sflag:s26] =	ssyncset.done $0x0  }
0xb7: {  	s10 =	sadd.s32 $0x500, s0;
	s9 =	rddreg [dreg:$0x3];
	[sflag:s26] =	ssyncadd.s32 $0xFFFFF000  }
0xb8: {  	[tilespmem:s28], [sflag:$0x1] =	stream.indirect.gather [hbm4b:s3+s7], $0x20, s10, s7, $0xb8;
	[tilespmem:$0x1A400] =	vst v63  }
0xb9: {  	s13 =	sadd.s32 $0x580, s0;
	s11 =	rddreg [dreg:$0x5]  }
0xba: {  	[tilespmem:s11], [sflag:$0x1] =	stream.indirect.gather [hbm4b:s3+s7], $0x20, s13, s7, $0xb8;
	[tilespmem:$0x1A400] =	vst v63  }
0xbb: {  	s14 =	sadd.s32 $0x600, s0;
	s12 =	rddreg [dreg:$0x6]  }
0xbc: {  	[tilespmem:s12], [sflag:$0x1] =	stream.indirect.gather [hbm4b:s3+s7], $0x20, s14, s7, $0xb8;
	[tilespmem:$0x1A400] =	vst v63  }
0xbd: {  	s15 =	rddreg [dreg:$0x7];
	s12 =	sadd.s32 $0x680, s0  }
0xbe: {  	[tilespmem:s15], [sflag:$0x1] =	stream.indirect.gather [hbm4b:s3+s7], $0x20, s12, s7, $0xb8;
	[tilespmem:$0x1A400] =	vst v63  }
0xbf: {  	s13 =	rddreg [dreg:$0x8];
	s14 =	sadd.s32 $0x700, s0  }
0xc0: {  	[tilespmem:s13], [sflag:$0x1] =	stream.indirect.gather [hbm4b:s3+s7], $0x20, s14, s7, $0xb8;
	[tilespmem:$0x1A400] =	vst v63  }
0xc1: {  	s15 =	rddreg [dreg:$0x9];
	s12 =	sadd.s32 $0x780, s0  }
0xc2: {  	[tilespmem:s15], [sflag:$0x1] =	stream.indirect.gather [hbm4b:s3+s7], $0x20, s12, s7, $0xb8;
	[tilespmem:$0x1A400] =	vst v63  }
0xc3: {  	s13 =	rddreg [dreg:$0xa];
	s14 =	sadd.s32 $0x800, s0  }
0xc4: {  	[tilespmem:s13], [sflag:$0x1] =	stream.indirect.gather [hbm4b:s3+s7], $0x20, s14, s7, $0xb8;
	[tilespmem:$0x1A400] =	vst v63  }
0xc5: {  	s15 =	rddreg [dreg:$0xb];
	s12 =	sadd.s32 $0x880, s0  }
0xc6: {  	[tilespmem:s15], [sflag:$0x1] =	stream.indirect.gather [hbm4b:s3+s7], $0x20, s12, s7, $0xb8;
	[tilespmem:$0x1A400] =	vst v63  }
0xc7: {  	s13 =	rddreg [dreg:$0xc];
	s14 =	sadd.s32 $0x900, s0  }
0xc8: {  	[tilespmem:s13], [sflag:$0x1] =	stream.indirect.gather [hbm4b:s3+s7], $0x20, s14, s7, $0xb8;
	[tilespmem:$0x1A400] =	vst v63  }
0xc9: {  	s0 =	sadd.s32 $0x980, s0;
	s15 =	rddreg [dreg:$0xd]  }
0xca: {  	[tilespmem:s15], [sflag:$0x1] =	stream.indirect.gather [hbm4b:s3+s7], $0x20, s0, s7, $0xb8;
	[tilespmem:$0x1A400] =	vst v63  }
0xcb: {  	s13 =	sadd.s32 s1, s9  }
0xcc: {  	[hbm4b:s13+s2] =	stream.linear.scatter [tilespmem:s8], [sflag:$0x3], $0xA000, $0x38;
	[tilespmem:$0x1A400] =	vst v63  }
0xcd: {  	_ =	swait.ge [sflag:s29], $0xA000  }
0xce: {  	[sflag:s29] =	ssyncset.done $0x0  }
0xcf: {  	[sflag:s29] =	ssyncadd.s32 $0xFFFF6000  }
0xd0: {  	_ =	swait.ge [sflag:s26], $0x1000  }
0xd1: {  	[sflag:s26] =	ssyncset.done $0x0  }
0xd2: {  	[sflag:s26] =	ssyncadd.s32 $0xFFFFF000  }
0xd3: {  	_ =	swait.ge [sflag:s26], $0x1000  }
0xd4: {  	[sflag:s26] =	ssyncset.done $0x0  }
0xd5: {  	[sflag:s26] =	ssyncadd.s32 $0xFFFFF000  }
0xd6: {  	_ =	swait.ge [sflag:s26], $0x1000  }
0xd7: {  	[sflag:s26] =	ssyncset.done $0x0  }
0xd8: {  	[sflag:s26] =	ssyncadd.s32 $0xFFFFF000  }
0xd9: {  	_ =	swait.ge [sflag:s26], $0x1000  }
0xda: {  	[sflag:s26] =	ssyncset.done $0x0  }
0xdb: {  	[sflag:s26] =	ssyncadd.s32 $0xFFFFF000  }
0xdc: {  	_ =	swait.ge [sflag:s26], $0x1000  }
0xdd: {  	[sflag:s26] =	ssyncset.done $0x0  }
0xde: {  	[sflag:s26] =	ssyncadd.s32 $0xFFFFF000  }
0xdf: {  	_ =	swait.ge [sflag:s26], $0x1000  }
0xe0: {  	[sflag:s26] =	ssyncset.done $0x0  }
0xe1: {  	[sflag:s26] =	ssyncadd.s32 $0xFFFFF000  }
0xe2: {  	_ =	swait.ge [sflag:s26], $0x1000  }
0xe3: {  	[sflag:s26] =	ssyncset.done $0x0  }
0xe4: {  	[sflag:s26] =	ssyncadd.s32 $0xFFFFF000  }
0xe5: {  	_ =	swait.ge [sflag:s26], $0x1000  }
0xe6: {  	[sflag:s26] =	ssyncset.done $0x0  }
0xe7: {  	[sflag:s26] =	ssyncadd.s32 $0xFFFFF000  }
0xe8: {  	_ =	swait.ge [sflag:s26], $0x1000  }
0xe9: {  	[sflag:s26] =	ssyncset.done $0x0  }
0xea: {  	[sflag:s26] =	ssyncadd.s32 $0xFFFFF000  }
0xeb: {  	p1 =	seq.s32 s1, $0x16800;
	_ =	swait.ge [sflag:s26], $0x1000  }
0xec: {  	s11 =	simm.s32 @!p1 $0x80;
	s0 =	sshra.s32 @!p1 s1, $0x2;
	[sflag:s26] =	ssyncset.done $0x0  }
0xed: {  	s9 =	simm.s32 @!p1 $0x6400;
	s10 =	sadd.s32 @!p1 $0xA00, s0;
	[sflag:s26] =	ssyncadd.s32 $0xFFFFF000  }
0xee: {  	[tilespmem:s9], [sflag:$0x1] =	stream.indirect.gather @!p1 [hbm4b:s3+s11], $0x20, s10, s11, $0xb8;
	[tilespmem:$0x1A400] =	vst v63  }
0xef: {  	s9 =	sadd.s32 @!p1 $0xA80, s0;
	s10 =	simm.s32 @!p1 $0x7400  }
0xf0: {  	[tilespmem:s10], [sflag:$0x1] =	stream.indirect.gather @!p1 [hbm4b:s3+s11], $0x20, s9, s11, $0xb8;
	[tilespmem:$0x1A400] =	vst v63  }
0xf1: {  	s12 =	sadd.s32 @!p1 $0xB00, s0;
	s9 =	simm.s32 @!p1 $0x8400  }
0xf2: {  	[tilespmem:s9], [sflag:$0x1] =	stream.indirect.gather @!p1 [hbm4b:s3+s11], $0x20, s12, s11, $0xb8;
	[tilespmem:$0x1A400] =	vst v63  }
0xf3: {  	s10 =	sadd.s32 @!p1 $0xB80, s0;
	s9 =	simm.s32 @!p1 $0x9400  }
0xf4: {  	[tilespmem:s9], [sflag:$0x1] =	stream.indirect.gather @!p1 [hbm4b:s3+s11], $0x20, s10, s11, $0xb8;
	[tilespmem:$0x1A400] =	vst v63  }
0xf5: {  	s13 =	sadd.s32 @!p1 $0xC00, s0;
	s9 =	simm.s32 @!p1 $0xA400  }
0xf6: {  	[tilespmem:s9], [sflag:$0x1] =	stream.indirect.gather @!p1 [hbm4b:s3+s11], $0x20, s13, s11, $0xb8;
	[tilespmem:$0x1A400] =	vst v63  }
0xf7: {  	s12 =	sadd.s32 @!p1 $0xC80, s0;
	s9 =	simm.s32 @!p1 $0xB400  }
0xf8: {  	[tilespmem:s9], [sflag:$0x1] =	stream.indirect.gather @!p1 [hbm4b:s3+s11], $0x20, s12, s11, $0xb8;
	[tilespmem:$0x1A400] =	vst v63  }
0xf9: {  	s14 =	sadd.s32 @!p1 $0xD00, s0;
	s9 =	simm.s32 @!p1 $0xC400  }
0xfa: {  	[tilespmem:s9], [sflag:$0x1] =	stream.indirect.gather @!p1 [hbm4b:s3+s11], $0x20, s14, s11, $0xb8;
	[tilespmem:$0x1A400] =	vst v63  }
0xfb: {  	s10 =	sadd.s32 @!p1 $0xD80, s0;
	s9 =	simm.s32 @!p1 $0xD400  }
0xfc: {  	[tilespmem:s9], [sflag:$0x1] =	stream.indirect.gather @!p1 [hbm4b:s3+s11], $0x20, s10, s11, $0xb8;
	[tilespmem:$0x1A400] =	vst v63  }
0xfd: {  	s31 =	sadd.s32 $0x2800, s31;
	s15 =	sadd.s32 @!p1 $0xE00, s0;
	s9 =	simm.s32 @!p1 $0xE400  }
0xfe: {  	[tilespmem:s9], [sflag:$0x1] =	stream.indirect.gather @!p1 [hbm4b:s3+s11], $0x20, s15, s11, $0xb8;
	[tilespmem:$0x1A400] =	vst v63  }
0xff: {  	p0 =	sne.s32 s31, $0x19000;
	s0 =	sadd.s32 @!p1 $0xE80, s0;
	s9 =	simm.s32 @!p1 $0xF400  }
0x100: {  	[tilespmem:s9], [sflag:$0x1] =	stream.indirect.gather @!p1 [hbm4b:s3+s11], $0x20, s0, s11, $0xb8;
	[tilespmem:$0x1A400] =	vst v63  }
.Ltmp0:
0x101: {  	s14 =	rddreg [dreg:$0x4];
	(pc) =	sbr.rel @p0 .LBB2_2-.Ltmp0, $4  }
0x102: {  	s15 =	sadd.s32 s1, s14  }
0x103: {  	[hbm4b:s15+s2] =	stream.linear.scatter [tilespmem:s28], [sflag:$0x2], $0xA000, $0x38;
	[tilespmem:$0x1A400] =	vst v63  }
0x104: {  	_ =	swait.ge [sflag:s6], $0xA000  }
0x105: {  	[sflag:s6] =	ssyncset.done $0x0  }
0x106: {  	s30 =	sadd.s32 $0x1, s30  }
0x107: {  	p0 =	sne.s32 s30, s5  }
.Ltmp1:
0x108: {  	_ = 	snop;
	(pc) =	sbr.rel @p0 .LBB2_1-.Ltmp1, $2  }
0x109: {  	_ =	sdelay $0x2  }
0x10a: {  	[sflag:s6] =	ssyncadd.s32 $0xFFFF6000  }
0x10b: {  	_ =	sfence.sel $0x180000  }
0x10c: {  	[bflag:$0x0] =	sbarrier.arrive $0xFFFF  }
0x10d: {  	_ =	strace $0x90000047  }
0x10e: {  	s0 =	stileid.u32;
	[bflag:$0x2] =	sbarrier.arrive $0xFFFF  }
0x10f: {  	p0 =	sne.s32 s0, $0x0;
	s0 =	rddreg [dreg:$0x2]  }
0x110: {  	s0 =	sadd.s32 @!p0 $0x100000, s0  }
0x111: {  	[sflag:s0] =	ssyncadd.tile.s32 @!p0 $0x1;
	_ =	shalt  }
.Lfunc_end2:
_tile_overlayer_lowered:
.L_overlay_start_2:
0x112: {  	(tag) =	ssettag $0x2  }
0x113: {  	s0 =	rddreg [dreg:$0x0];
	s2 =	stileid.u32  }
0x114: {  	s1 =	rddreg [dreg:$0x1];
	p0 =	sne.s32 s2, $0x0  }
0x115: {  	s3 =	rddreg [dreg:$0x2];
	[bflag:$0x3] =	sbarrier.arrive $0xFFFF;
	s2 =	simm.s32 @!p0 $0x1C02  }
0x116: {  	[timem:s3], [sflag:s2] =	dma.local @!p0 [hbm:s0], s1  }
0x117: {  	s0 =	simm.s32 @!p0 $0x2  }
0x118: {  	_ =	swait.ge @!p0 [sflag:s0], s1  }
0x119: {  	s1 =	ssub.s32 @!p0 $0x0, s1;
	[sflag:s0] =	ssyncset.done @!p0 $0x0  }
0x11a: {  	[sflag:s0] =	ssyncadd.s32 @!p0 s1  }
0x11b: {  	[bflag:$0x3] =	sbarrier.arrive $0xFFFF  }
0x11c: {  	_ =	shalt  }

</sc_bundles>
